<compile_context>
chip_gen: v7x
topology: tpu7x:2x2x1
jax: 0.10.2.dev20260603
libtpu: 0.0.44.dev20260713+nightly
codegen_flags: <defaults>
</compile_context>

<pallas_src>
import jax
import jax.numpy as jnp
from jax import lax
from jax.experimental import pallas as pl
from jax.experimental.pallas import tpu as pltpu
from jax.experimental.pallas import tpu_sc as plsc

B = 4096
L = 200
E = 32
NC = 2
NS = 16
NW = NC * NS
LT = L // 8
LPH = 2
NH = 8 // LPH
RH = LPH * 128
UNITS = LT * NH
NBUF = 4


def _sc_body(xt_hbm, w_hbm, out_hbm, idx_v, rows_0, rows_1, rows_2, rows_3,
             outt_0, outt_1, outt_2, outt_3, gsem, osem):
  rows_v = (rows_0, rows_1, rows_2, rows_3)
  outts = (outt_0, outt_1, outt_2, outt_3)
  wid = lax.axis_index("s") * NC + lax.axis_index("c")

  iota = lax.iota(jnp.int32, 16)
  e_lo = iota
  e_hi = iota + 16

  pltpu.sync_copy(xt_hbm.at[wid], idx_v)

  def start_gather(u, k):
    for li in range(LPH):
      pltpu.async_copy(
          w_hbm.at[idx_v.at[u * LPH + li]],
          rows_v[k].at[pl.ds(li * 128, 128)],
          gsem.at[k],
      )

  def wait_gather(u, k):
    for li in range(LPH):
      pltpu.make_async_copy(
          w_hbm.at[idx_v.at[u * LPH + li]],
          rows_v[k].at[pl.ds(li * 128, 128)],
          gsem.at[k],
      ).wait()

  def transpose(k):
    rows = rows_v[k]
    outt = outts[k]

    @plsc.parallel_loop(0, RH, unroll=8, carry=jnp.zeros((16,), jnp.int32))
    def _(r, rv):
      plsc.store_scatter(outt, [e_lo, rv], rows[r, 0:16])
      plsc.store_scatter(outt, [e_hi, rv], rows[r, 16:32])
      return rv + 1

  def out_dst(u):
    lt = u // NH
    h = u % NH
    return out_hbm.at[:, lt, wid, h]

  for k in range(NBUF):
    start_gather(k, k)

  def outer(g, _):
    for k in range(NBUF):
      u = g * NBUF + k
      wait_gather(u, k)

      @pl.when(g > 0)
      def _():
        pltpu.make_async_copy(outts[k], out_dst(u), osem.at[k]).wait()

      transpose(k)
      pltpu.async_copy(outts[k], out_dst(u), osem.at[k])

      @pl.when(u + NBUF < UNITS)
      def _():
        start_gather(u + NBUF, k)

    return 0

  lax.fori_loop(0, UNITS // NBUF, outer, 0)

  for k in range(NBUF):
    pltpu.make_async_copy(outts[k], out_hbm.at[:, 0, wid, 0],
                          osem.at[k]).wait()


@jax.jit
def kernel(x, W):
  xt = x.astype(jnp.int32).reshape(NW, 128, LT, 8).transpose(0, 2, 3, 1)
  xt = xt.reshape(NW, LT * 8, 128)
  run = pl.kernel(
      _sc_body,
      out_type=jax.ShapeDtypeStruct((E, LT, NW, NH, RH), jnp.float32),
      mesh=plsc.VectorSubcoreMesh(core_axis_name="c", subcore_axis_name="s"),
      compiler_params=pltpu.CompilerParams(
          use_tc_tiling_on_sc=False, needs_layout_passes=False
      ),
      scratch_types=(
          [pltpu.VMEM((LT * 8, 128), jnp.int32)]
          + [pltpu.VMEM((RH, E), jnp.float32) for _ in range(NBUF)]
          + [pltpu.VMEM((E, RH), jnp.float32) for _ in range(NBUF)]
          + [pltpu.SemaphoreType.DMA((NBUF,)),
             pltpu.SemaphoreType.DMA((NBUF,))]
      ),
  )
  out6 = run(xt, W)
  out = out6.reshape(E, LT, NW, 8, 128).transpose(2, 4, 0, 1, 3)
  return out.reshape(B, E, L)

# --- scband reference (transcript-rebuilt; emitter-appended) ---
"""Pipeline reference for scband-ingredients-encoder-41343355191701 (READ-ONLY COPY).

The authoritative reference and input builder live on the scoring server;
editing this copy changes nothing except your own understanding.
"""

import jax, jax.numpy as jnp
import numpy as np

NUM_CLASSES = 100000
EMBED_SIZE = 32
BATCH = 4096
HIST = 200

def setup_inputs(seed: int = 0) -> dict:
    key = jax.random.key(seed)
    k1, k2 = jax.random.split(key)
    x = jax.random.randint(k1, (BATCH, HIST), 0, NUM_CLASSES, dtype=jnp.int64 if jax.config.jax_enable_x64 else jnp.int32)
    W = jax.random.normal(k2, (NUM_CLASSES, EMBED_SIZE), dtype=jnp.float32)
    # padding_idx row is conventionally zero-initialized in torch
    W = W.at[NUM_CLASSES - 1].set(0.0)
    return {"x": x, "W": W}

def reference(x, W):
    # eval-mode forward: embedding lookup (dropout is identity at inference)
    emb = jnp.take(W, x, axis=0)            # [B, L, E]
    emb = jnp.transpose(emb, (0, 2, 1))      # [B, E, L] (permute(0,2,1))
    return emb

if __name__ == "__main__":
    import jax
    _d = setup_inputs()
    print(jax.jit(kernel)(*tuple(_d.values())))

</pallas_src>

<mosaic_0001>
#map = affine_map<(d0, d1) -> (0, 0, 0)>
#map1 = affine_map<(d0, d1) -> (0, 0)>
#map2 = affine_map<(d0, d1) -> (0, 0, 0, 0, 0)>
module attributes {stable_mosaic.version = 14 : i64} {
  func.func @_sc_body(%arg0: i32, %arg1: i32, %arg2: memref<32x200x128xi32, #tpu.memory_space<hbm>>, %arg3: memref<100000x32xf32, #tpu.memory_space<hbm>>, %arg4: memref<32x25x32x4x256xf32, #tpu.memory_space<hbm>>, %arg5: memref<200x128xi32, #tpu.memory_space<vmem>>, %arg6: memref<256x32xf32, #tpu.memory_space<vmem>>, %arg7: memref<256x32xf32, #tpu.memory_space<vmem>>, %arg8: memref<256x32xf32, #tpu.memory_space<vmem>>, %arg9: memref<256x32xf32, #tpu.memory_space<vmem>>, %arg10: memref<32x256xf32, #tpu.memory_space<vmem>>, %arg11: memref<32x256xf32, #tpu.memory_space<vmem>>, %arg12: memref<32x256xf32, #tpu.memory_space<vmem>>, %arg13: memref<32x256xf32, #tpu.memory_space<vmem>>, %arg14: memref<4x!tpu.dma_semaphore, #tpu.memory_space<semaphore_mem>>, %arg15: memref<4x!tpu.dma_semaphore, #tpu.memory_space<semaphore_mem>>) attributes {dimension_semantics = [#tpu.dimension_semantics<core_parallel>, #tpu.dimension_semantics<subcore_parallel>], iteration_bounds = array<i64: 2, 16>, scalar_prefetch = 0 : i64, scratch_operands = 11 : i64, tpu.core_type = #tpu.core_type<sc_vector_subcore>, window_params = [{transform_indices = #map}, {transform_indices = #map1}, {transform_indices = #map2}]} {
    %mul3A = arith.constant 2 : i32
    %mul3A_0 = arith.muli %arg1, %mul3A : i32
    %add3A = arith.addi %mul3A_0, %arg0 : i32
    %iota3A = tpu.iota {dimensions = array<i32: 0>} : vector<16xi32>
    %add3A_1 = arith.constant 16 : i32
    %add3A_2 = vector.broadcast %add3A_1 : i32 to vector<16xi32>
    %add3A_3 = arith.addi %iota3A, %add3A_2 : vector<16xi32>
    "tpu.region"() ({
      %run_scoped3A = tpu.sem_alloc : memref<!tpu.dma_semaphore, #tpu.memory_space<semaphore_mem>>
      %dma_start3A_164 = arith.constant 0 : i32
      %dma_start3A_165 = arith.constant 0 : i32
      %dma_start3A_166 = tpu.memref_slice %arg2[%add3A, %dma_start3A_164, %dma_start3A_165] : memref<32x200x128xi32, #tpu.memory_space<hbm>> -> memref<1x200x128xi32, #tpu.memory_space<hbm>>
      %dma_start3A_167 = tpu.memref_squeeze %dma_start3A_166 : memref<1x200x128xi32, #tpu.memory_space<hbm>> -> memref<200x128xi32, #tpu.memory_space<hbm>>
      %dma_start3A_168 = arith.constant 0 : i32
      %dma_start3A_169 = arith.constant 0 : i32
      %dma_start3A_170 = tpu.memref_slice %arg2[%add3A, %dma_start3A_168, %dma_start3A_169] : memref<32x200x128xi32, #tpu.memory_space<hbm>> -> memref<1x200x128xi32, #tpu.memory_space<hbm>>
      %dma_start3A_171 = tpu.memref_squeeze %dma_start3A_170 : memref<1x200x128xi32, #tpu.memory_space<hbm>> -> memref<200x128xi32, #tpu.memory_space<hbm>>
      tpu.enqueue_dma source(%dma_start3A_171 : memref<200x128xi32, #tpu.memory_space<hbm>>) target(%arg5 : memref<200x128xi32, #tpu.memory_space<vmem>>) target_semaphore(%run_scoped3A : memref<!tpu.dma_semaphore, #tpu.memory_space<semaphore_mem>>)
      %dma_wait3A_172 = arith.constant 0 : i32
      %dma_wait3A_173 = arith.constant 0 : i32
      %dma_wait3A_174 = tpu.memref_slice %arg2[%add3A, %dma_wait3A_172, %dma_wait3A_173] : memref<32x200x128xi32, #tpu.memory_space<hbm>> -> memref<1x200x128xi32, #tpu.memory_space<hbm>>
      %dma_wait3A_175 = tpu.memref_squeeze %dma_wait3A_174 : memref<1x200x128xi32, #tpu.memory_space<hbm>> -> memref<200x128xi32, #tpu.memory_space<hbm>>
      %dma_wait3A_176 = arith.constant 0 : i32
      %dma_wait3A_177 = arith.constant 0 : i32
      %dma_wait3A_178 = tpu.memref_slice %arg2[%add3A, %dma_wait3A_176, %dma_wait3A_177] : memref<32x200x128xi32, #tpu.memory_space<hbm>> -> memref<1x200x128xi32, #tpu.memory_space<hbm>>
      %dma_wait3A_179 = tpu.memref_squeeze %dma_wait3A_178 : memref<1x200x128xi32, #tpu.memory_space<hbm>> -> memref<200x128xi32, #tpu.memory_space<hbm>>
      tpu.wait_dma2 semaphore(%run_scoped3A : memref<!tpu.dma_semaphore, #tpu.memory_space<semaphore_mem>>) src(%dma_wait3A_179 : memref<200x128xi32, #tpu.memory_space<hbm>>) dst(%arg5 : memref<200x128xi32, #tpu.memory_space<vmem>>)
      tpu.yield
    }) : () -> ()
    %dma_start3A = arith.constant 0 : i32
    %dma_start3A_4 = arith.constant 0 : i32
    %dma_start3A_5 = arith.constant 0 : i32
    %dma_start3A_6 = arith.constant 0 : i32
    %dma_start3A_7 = tpu.memref_slice %arg6[%dma_start3A_5, %dma_start3A_6] : memref<256x32xf32, #tpu.memory_space<vmem>> -> memref<128x32xf32, #tpu.memory_space<vmem>>
    %dma_start3A_8 = arith.constant 0 : i32
    %dma_start3A_9 = tpu.memref_slice %arg5[%dma_start3A, %dma_start3A_8] : memref<200x128xi32, #tpu.memory_space<vmem>> -> memref<1x128xi32, #tpu.memory_space<vmem>>
    %dma_start3A_10 = tpu.memref_squeeze %dma_start3A_9 : memref<1x128xi32, #tpu.memory_space<vmem>> -> memref<128xi32, #tpu.memory_space<vmem>>
    %dma_start3A_11 = arith.constant 0 : i32
    %dma_start3A_12 = arith.constant 0 : i32
    %dma_start3A_13 = tpu.memref_slice %arg3[%dma_start3A_11, %dma_start3A_12] : memref<100000x32xf32, #tpu.memory_space<hbm>> -> memref<100000x32xf32, #tpu.memory_space<hbm>>
    %dma_start3A_14 = tpu.memref_slice %arg14[%dma_start3A_4] : memref<4x!tpu.dma_semaphore, #tpu.memory_space<semaphore_mem>> -> memref<1x!tpu.dma_semaphore, #tpu.memory_space<semaphore_mem>>
    %dma_start3A_15 = tpu.memref_squeeze %dma_start3A_14 : memref<1x!tpu.dma_semaphore, #tpu.memory_space<semaphore_mem>> -> memref<!tpu.dma_semaphore, #tpu.memory_space<semaphore_mem>>
    tpu.enqueue_indirect_dma source(%dma_start3A_13 : memref<100000x32xf32, #tpu.memory_space<hbm>>) target(%dma_start3A_7 : memref<128x32xf32, #tpu.memory_space<vmem>>) offsets(%dma_start3A_10 : memref<128xi32, #tpu.memory_space<vmem>>) semaphore(%dma_start3A_15 : memref<!tpu.dma_semaphore, #tpu.memory_space<semaphore_mem>>)
    %dma_start3A_16 = arith.constant 1 : i32
    %dma_start3A_17 = arith.constant 0 : i32
    %dma_start3A_18 = arith.constant 128 : i32
    %dma_start3A_19 = arith.constant 0 : i32
    %dma_start3A_20 = tpu.memref_slice %arg6[%dma_start3A_18, %dma_start3A_19] : memref<256x32xf32, #tpu.memory_space<vmem>> -> memref<128x32xf32, #tpu.memory_space<vmem>>
    %dma_start3A_21 = arith.constant 0 : i32
    %dma_start3A_22 = tpu.memref_slice %arg5[%dma_start3A_16, %dma_start3A_21] : memref<200x128xi32, #tpu.memory_space<vmem>> -> memref<1x128xi32, #tpu.memory_space<vmem>>
    %dma_start3A_23 = tpu.memref_squeeze %dma_start3A_22 : memref<1x128xi32, #tpu.memory_space<vmem>> -> memref<128xi32, #tpu.memory_space<vmem>>
    %dma_start3A_24 = arith.constant 0 : i32
    %dma_start3A_25 = arith.constant 0 : i32
    %dma_start3A_26 = tpu.memref_slice %arg3[%dma_start3A_24, %dma_start3A_25] : memref<100000x32xf32, #tpu.memory_space<hbm>> -> memref<100000x32xf32, #tpu.memory_space<hbm>>
    %dma_start3A_27 = tpu.memref_slice %arg14[%dma_start3A_17] : memref<4x!tpu.dma_semaphore, #tpu.memory_space<semaphore_mem>> -> memref<1x!tpu.dma_semaphore, #tpu.memory_space<semaphore_mem>>
    %dma_start3A_28 = tpu.memref_squeeze %dma_start3A_27 : memref<1x!tpu.dma_semaphore, #tpu.memory_space<semaphore_mem>> -> memref<!tpu.dma_semaphore, #tpu.memory_space<semaphore_mem>>
    tpu.enqueue_indirect_dma source(%dma_start3A_26 : memref<100000x32xf32, #tpu.memory_space<hbm>>) target(%dma_start3A_20 : memref<128x32xf32, #tpu.memory_space<vmem>>) offsets(%dma_start3A_23 : memref<128xi32, #tpu.memory_space<vmem>>) semaphore(%dma_start3A_28 : memref<!tpu.dma_semaphore, #tpu.memory_space<semaphore_mem>>)
    %dma_start3A_29 = arith.constant 2 : i32
    %dma_start3A_30 = arith.constant 1 : i32
    %dma_start3A_31 = arith.constant 0 : i32
    %dma_start3A_32 = arith.constant 0 : i32
    %dma_start3A_33 = tpu.memref_slice %arg7[%dma_start3A_31, %dma_start3A_32] : memref<256x32xf32, #tpu.memory_space<vmem>> -> memref<128x32xf32, #tpu.memory_space<vmem>>
    %dma_start3A_34 = arith.constant 0 : i32
    %dma_start3A_35 = tpu.memref_slice %arg5[%dma_start3A_29, %dma_start3A_34] : memref<200x128xi32, #tpu.memory_space<vmem>> -> memref<1x128xi32, #tpu.memory_space<vmem>>
    %dma_start3A_36 = tpu.memref_squeeze %dma_start3A_35 : memref<1x128xi32, #tpu.memory_space<vmem>> -> memref<128xi32, #tpu.memory_space<vmem>>
    %dma_start3A_37 = arith.constant 0 : i32
    %dma_start3A_38 = arith.constant 0 : i32
    %dma_start3A_39 = tpu.memref_slice %arg3[%dma_start3A_37, %dma_start3A_38] : memref<100000x32xf32, #tpu.memory_space<hbm>> -> memref<100000x32xf32, #tpu.memory_space<hbm>>
    %dma_start3A_40 = tpu.memref_slice %arg14[%dma_start3A_30] : memref<4x!tpu.dma_semaphore, #tpu.memory_space<semaphore_mem>> -> memref<1x!tpu.dma_semaphore, #tpu.memory_space<semaphore_mem>>
    %dma_start3A_41 = tpu.memref_squeeze %dma_start3A_40 : memref<1x!tpu.dma_semaphore, #tpu.memory_space<semaphore_mem>> -> memref<!tpu.dma_semaphore, #tpu.memory_space<semaphore_mem>>
    tpu.enqueue_indirect_dma source(%dma_start3A_39 : memref<100000x32xf32, #tpu.memory_space<hbm>>) target(%dma_start3A_33 : memref<128x32xf32, #tpu.memory_space<vmem>>) offsets(%dma_start3A_36 : memref<128xi32, #tpu.memory_space<vmem>>) semaphore(%dma_start3A_41 : memref<!tpu.dma_semaphore, #tpu.memory_space<semaphore_mem>>)
    %dma_start3A_42 = arith.constant 3 : i32
    %dma_start3A_43 = arith.constant 1 : i32
    %dma_start3A_44 = arith.constant 128 : i32
    %dma_start3A_45 = arith.constant 0 : i32
    %dma_start3A_46 = tpu.memref_slice %arg7[%dma_start3A_44, %dma_start3A_45] : memref<256x32xf32, #tpu.memory_space<vmem>> -> memref<128x32xf32, #tpu.memory_space<vmem>>
    %dma_start3A_47 = arith.constant 0 : i32
    %dma_start3A_48 = tpu.memref_slice %arg5[%dma_start3A_42, %dma_start3A_47] : memref<200x128xi32, #tpu.memory_space<vmem>> -> memref<1x128xi32, #tpu.memory_space<vmem>>
    %dma_start3A_49 = tpu.memref_squeeze %dma_start3A_48 : memref<1x128xi32, #tpu.memory_space<vmem>> -> memref<128xi32, #tpu.memory_space<vmem>>
    %dma_start3A_50 = arith.constant 0 : i32
    %dma_start3A_51 = arith.constant 0 : i32
    %dma_start3A_52 = tpu.memref_slice %arg3[%dma_start3A_50, %dma_start3A_51] : memref<100000x32xf32, #tpu.memory_space<hbm>> -> memref<100000x32xf32, #tpu.memory_space<hbm>>
    %dma_start3A_53 = tpu.memref_slice %arg14[%dma_start3A_43] : memref<4x!tpu.dma_semaphore, #tpu.memory_space<semaphore_mem>> -> memref<1x!tpu.dma_semaphore, #tpu.memory_space<semaphore_mem>>
    %dma_start3A_54 = tpu.memref_squeeze %dma_start3A_53 : memref<1x!tpu.dma_semaphore, #tpu.memory_space<semaphore_mem>> -> memref<!tpu.dma_semaphore, #tpu.memory_space<semaphore_mem>>
    tpu.enqueue_indirect_dma source(%dma_start3A_52 : memref<100000x32xf32, #tpu.memory_space<hbm>>) target(%dma_start3A_46 : memref<128x32xf32, #tpu.memory_space<vmem>>) offsets(%dma_start3A_49 : memref<128xi32, #tpu.memory_space<vmem>>) semaphore(%dma_start3A_54 : memref<!tpu.dma_semaphore, #tpu.memory_space<semaphore_mem>>)
    %dma_start3A_55 = arith.constant 4 : i32
    %dma_start3A_56 = arith.constant 2 : i32
    %dma_start3A_57 = arith.constant 0 : i32
    %dma_start3A_58 = arith.constant 0 : i32
    %dma_start3A_59 = tpu.memref_slice %arg8[%dma_start3A_57, %dma_start3A_58] : memref<256x32xf32, #tpu.memory_space<vmem>> -> memref<128x32xf32, #tpu.memory_space<vmem>>
    %dma_start3A_60 = arith.constant 0 : i32
    %dma_start3A_61 = tpu.memref_slice %arg5[%dma_start3A_55, %dma_start3A_60] : memref<200x128xi32, #tpu.memory_space<vmem>> -> memref<1x128xi32, #tpu.memory_space<vmem>>
    %dma_start3A_62 = tpu.memref_squeeze %dma_start3A_61 : memref<1x128xi32, #tpu.memory_space<vmem>> -> memref<128xi32, #tpu.memory_space<vmem>>
    %dma_start3A_63 = arith.constant 0 : i32
    %dma_start3A_64 = arith.constant 0 : i32
    %dma_start3A_65 = tpu.memref_slice %arg3[%dma_start3A_63, %dma_start3A_64] : memref<100000x32xf32, #tpu.memory_space<hbm>> -> memref<100000x32xf32, #tpu.memory_space<hbm>>
    %dma_start3A_66 = tpu.memref_slice %arg14[%dma_start3A_56] : memref<4x!tpu.dma_semaphore, #tpu.memory_space<semaphore_mem>> -> memref<1x!tpu.dma_semaphore, #tpu.memory_space<semaphore_mem>>
    %dma_start3A_67 = tpu.memref_squeeze %dma_start3A_66 : memref<1x!tpu.dma_semaphore, #tpu.memory_space<semaphore_mem>> -> memref<!tpu.dma_semaphore, #tpu.memory_space<semaphore_mem>>
    tpu.enqueue_indirect_dma source(%dma_start3A_65 : memref<100000x32xf32, #tpu.memory_space<hbm>>) target(%dma_start3A_59 : memref<128x32xf32, #tpu.memory_space<vmem>>) offsets(%dma_start3A_62 : memref<128xi32, #tpu.memory_space<vmem>>) semaphore(%dma_start3A_67 : memref<!tpu.dma_semaphore, #tpu.memory_space<semaphore_mem>>)
    %dma_start3A_68 = arith.constant 5 : i32
    %dma_start3A_69 = arith.constant 2 : i32
    %dma_start3A_70 = arith.constant 128 : i32
    %dma_start3A_71 = arith.constant 0 : i32
    %dma_start3A_72 = tpu.memref_slice %arg8[%dma_start3A_70, %dma_start3A_71] : memref<256x32xf32, #tpu.memory_space<vmem>> -> memref<128x32xf32, #tpu.memory_space<vmem>>
    %dma_start3A_73 = arith.constant 0 : i32
    %dma_start3A_74 = tpu.memref_slice %arg5[%dma_start3A_68, %dma_start3A_73] : memref<200x128xi32, #tpu.memory_space<vmem>> -> memref<1x128xi32, #tpu.memory_space<vmem>>
    %dma_start3A_75 = tpu.memref_squeeze %dma_start3A_74 : memref<1x128xi32, #tpu.memory_space<vmem>> -> memref<128xi32, #tpu.memory_space<vmem>>
    %dma_start3A_76 = arith.constant 0 : i32
    %dma_start3A_77 = arith.constant 0 : i32
    %dma_start3A_78 = tpu.memref_slice %arg3[%dma_start3A_76, %dma_start3A_77] : memref<100000x32xf32, #tpu.memory_space<hbm>> -> memref<100000x32xf32, #tpu.memory_space<hbm>>
    %dma_start3A_79 = tpu.memref_slice %arg14[%dma_start3A_69] : memref<4x!tpu.dma_semaphore, #tpu.memory_space<semaphore_mem>> -> memref<1x!tpu.dma_semaphore, #tpu.memory_space<semaphore_mem>>
    %dma_start3A_80 = tpu.memref_squeeze %dma_start3A_79 : memref<1x!tpu.dma_semaphore, #tpu.memory_space<semaphore_mem>> -> memref<!tpu.dma_semaphore, #tpu.memory_space<semaphore_mem>>
    tpu.enqueue_indirect_dma source(%dma_start3A_78 : memref<100000x32xf32, #tpu.memory_space<hbm>>) target(%dma_start3A_72 : memref<128x32xf32, #tpu.memory_space<vmem>>) offsets(%dma_start3A_75 : memref<128xi32, #tpu.memory_space<vmem>>) semaphore(%dma_start3A_80 : memref<!tpu.dma_semaphore, #tpu.memory_space<semaphore_mem>>)
    %dma_start3A_81 = arith.constant 6 : i32
    %dma_start3A_82 = arith.constant 3 : i32
    %dma_start3A_83 = arith.constant 0 : i32
    %dma_start3A_84 = arith.constant 0 : i32
    %dma_start3A_85 = tpu.memref_slice %arg9[%dma_start3A_83, %dma_start3A_84] : memref<256x32xf32, #tpu.memory_space<vmem>> -> memref<128x32xf32, #tpu.memory_space<vmem>>
    %dma_start3A_86 = arith.constant 0 : i32
    %dma_start3A_87 = tpu.memref_slice %arg5[%dma_start3A_81, %dma_start3A_86] : memref<200x128xi32, #tpu.memory_space<vmem>> -> memref<1x128xi32, #tpu.memory_space<vmem>>
    %dma_start3A_88 = tpu.memref_squeeze %dma_start3A_87 : memref<1x128xi32, #tpu.memory_space<vmem>> -> memref<128xi32, #tpu.memory_space<vmem>>
    %dma_start3A_89 = arith.constant 0 : i32
    %dma_start3A_90 = arith.constant 0 : i32
    %dma_start3A_91 = tpu.memref_slice %arg3[%dma_start3A_89, %dma_start3A_90] : memref<100000x32xf32, #tpu.memory_space<hbm>> -> memref<100000x32xf32, #tpu.memory_space<hbm>>
    %dma_start3A_92 = tpu.memref_slice %arg14[%dma_start3A_82] : memref<4x!tpu.dma_semaphore, #tpu.memory_space<semaphore_mem>> -> memref<1x!tpu.dma_semaphore, #tpu.memory_space<semaphore_mem>>
    %dma_start3A_93 = tpu.memref_squeeze %dma_start3A_92 : memref<1x!tpu.dma_semaphore, #tpu.memory_space<semaphore_mem>> -> memref<!tpu.dma_semaphore, #tpu.memory_space<semaphore_mem>>
    tpu.enqueue_indirect_dma source(%dma_start3A_91 : memref<100000x32xf32, #tpu.memory_space<hbm>>) target(%dma_start3A_85 : memref<128x32xf32, #tpu.memory_space<vmem>>) offsets(%dma_start3A_88 : memref<128xi32, #tpu.memory_space<vmem>>) semaphore(%dma_start3A_93 : memref<!tpu.dma_semaphore, #tpu.memory_space<semaphore_mem>>)
    %dma_start3A_94 = arith.constant 7 : i32
    %dma_start3A_95 = arith.constant 3 : i32
    %dma_start3A_96 = arith.constant 128 : i32
    %dma_start3A_97 = arith.constant 0 : i32
    %dma_start3A_98 = tpu.memref_slice %arg9[%dma_start3A_96, %dma_start3A_97] : memref<256x32xf32, #tpu.memory_space<vmem>> -> memref<128x32xf32, #tpu.memory_space<vmem>>
    %dma_start3A_99 = arith.constant 0 : i32
    %dma_start3A_100 = tpu.memref_slice %arg5[%dma_start3A_94, %dma_start3A_99] : memref<200x128xi32, #tpu.memory_space<vmem>> -> memref<1x128xi32, #tpu.memory_space<vmem>>
    %dma_start3A_101 = tpu.memref_squeeze %dma_start3A_100 : memref<1x128xi32, #tpu.memory_space<vmem>> -> memref<128xi32, #tpu.memory_space<vmem>>
    %dma_start3A_102 = arith.constant 0 : i32
    %dma_start3A_103 = arith.constant 0 : i32
    %dma_start3A_104 = tpu.memref_slice %arg3[%dma_start3A_102, %dma_start3A_103] : memref<100000x32xf32, #tpu.memory_space<hbm>> -> memref<100000x32xf32, #tpu.memory_space<hbm>>
    %dma_start3A_105 = tpu.memref_slice %arg14[%dma_start3A_95] : memref<4x!tpu.dma_semaphore, #tpu.memory_space<semaphore_mem>> -> memref<1x!tpu.dma_semaphore, #tpu.memory_space<semaphore_mem>>
    %dma_start3A_106 = tpu.memref_squeeze %dma_start3A_105 : memref<1x!tpu.dma_semaphore, #tpu.memory_space<semaphore_mem>> -> memref<!tpu.dma_semaphore, #tpu.memory_space<semaphore_mem>>
    tpu.enqueue_indirect_dma source(%dma_start3A_104 : memref<100000x32xf32, #tpu.memory_space<hbm>>) target(%dma_start3A_98 : memref<128x32xf32, #tpu.memory_space<vmem>>) offsets(%dma_start3A_101 : memref<128xi32, #tpu.memory_space<vmem>>) semaphore(%dma_start3A_106 : memref<!tpu.dma_semaphore, #tpu.memory_space<semaphore_mem>>)
    %scan3A = arith.constant 0 : i32
    %scan3A_107 = arith.constant 0 : i32
    %scan3A_108 = arith.constant 25 : i32
    %scan3A_109 = arith.addi %scan3A_107, %scan3A_108 : i32
    %scan3A_110 = arith.constant 1 : i32
    %scan3A_111 = scf.for %scan3A_164 = %scan3A_107 to %scan3A_109 step %scan3A_110 iter_args(%scan3A_165 = %scan3A) -> (i32)  : i32 {
      %mul3A_166 = arith.constant 4 : i32
      %mul3A_167 = arith.muli %scan3A_164, %mul3A_166 : i32
      %add3A_168 = arith.constant 0 : i32
      %add3A_169 = arith.addi %mul3A_167, %add3A_168 : i32
      %mul3A_170 = arith.constant 2 : i32
      %mul3A_171 = arith.muli %add3A_169, %mul3A_170 : i32
      %add3A_172 = arith.constant 0 : i32
      %add3A_173 = arith.addi %mul3A_171, %add3A_172 : i32
      %dma_wait3A_174 = arith.constant 0 : i32
      %dma_wait3A_175 = arith.constant 0 : i32
      %dma_wait3A_176 = arith.constant 0 : i32
      %dma_wait3A_177 = tpu.memref_slice %arg6[%dma_wait3A_175, %dma_wait3A_176] : memref<256x32xf32, #tpu.memory_space<vmem>> -> memref<128x32xf32, #tpu.memory_space<vmem>>
      %dma_wait3A_178 = arith.constant 0 : i32
      %dma_wait3A_179 = tpu.memref_slice %arg5[%add3A_173, %dma_wait3A_178] : memref<200x128xi32, #tpu.memory_space<vmem>> -> memref<1x128xi32, #tpu.memory_space<vmem>>
      %dma_wait3A_180 = tpu.memref_squeeze %dma_wait3A_179 : memref<1x128xi32, #tpu.memory_space<vmem>> -> memref<128xi32, #tpu.memory_space<vmem>>
      %dma_wait3A_181 = arith.constant 0 : i32
      %dma_wait3A_182 = arith.constant 0 : i32
      %dma_wait3A_183 = tpu.memref_slice %arg3[%dma_wait3A_181, %dma_wait3A_182] : memref<100000x32xf32, #tpu.memory_space<hbm>> -> memref<100000x32xf32, #tpu.memory_space<hbm>>
      %dma_wait3A_184 = tpu.memref_slice %arg14[%dma_wait3A_174] : memref<4x!tpu.dma_semaphore, #tpu.memory_space<semaphore_mem>> -> memref<1x!tpu.dma_semaphore, #tpu.memory_space<semaphore_mem>>
      %dma_wait3A_185 = tpu.memref_squeeze %dma_wait3A_184 : memref<1x!tpu.dma_semaphore, #tpu.memory_space<semaphore_mem>> -> memref<!tpu.dma_semaphore, #tpu.memory_space<semaphore_mem>>
      tpu.wait_indirect_dma semaphore(%dma_wait3A_185 : memref<!tpu.dma_semaphore, #tpu.memory_space<semaphore_mem>>) src(%dma_wait3A_183 : memref<100000x32xf32, #tpu.memory_space<hbm>>) dst(%dma_wait3A_177 : memref<128x32xf32, #tpu.memory_space<vmem>>)
      %mul3A_186 = arith.constant 2 : i32
      %mul3A_187 = arith.muli %add3A_169, %mul3A_186 : i32
      %add3A_188 = arith.constant 1 : i32
      %add3A_189 = arith.addi %mul3A_187, %add3A_188 : i32
      %dma_wait3A_190 = arith.constant 0 : i32
      %dma_wait3A_191 = arith.constant 128 : i32
      %dma_wait3A_192 = arith.constant 0 : i32
      %dma_wait3A_193 = tpu.memref_slice %arg6[%dma_wait3A_191, %dma_wait3A_192] : memref<256x32xf32, #tpu.memory_space<vmem>> -> memref<128x32xf32, #tpu.memory_space<vmem>>
      %dma_wait3A_194 = arith.constant 0 : i32
      %dma_wait3A_195 = tpu.memref_slice %arg5[%add3A_189, %dma_wait3A_194] : memref<200x128xi32, #tpu.memory_space<vmem>> -> memref<1x128xi32, #tpu.memory_space<vmem>>
      %dma_wait3A_196 = tpu.memref_squeeze %dma_wait3A_195 : memref<1x128xi32, #tpu.memory_space<vmem>> -> memref<128xi32, #tpu.memory_space<vmem>>
      %dma_wait3A_197 = arith.constant 0 : i32
      %dma_wait3A_198 = arith.constant 0 : i32
      %dma_wait3A_199 = tpu.memref_slice %arg3[%dma_wait3A_197, %dma_wait3A_198] : memref<100000x32xf32, #tpu.memory_space<hbm>> -> memref<100000x32xf32, #tpu.memory_space<hbm>>
      %dma_wait3A_200 = tpu.memref_slice %arg14[%dma_wait3A_190] : memref<4x!tpu.dma_semaphore, #tpu.memory_space<semaphore_mem>> -> memref<1x!tpu.dma_semaphore, #tpu.memory_space<semaphore_mem>>
      %dma_wait3A_201 = tpu.memref_squeeze %dma_wait3A_200 : memref<1x!tpu.dma_semaphore, #tpu.memory_space<semaphore_mem>> -> memref<!tpu.dma_semaphore, #tpu.memory_space<semaphore_mem>>
      tpu.wait_indirect_dma semaphore(%dma_wait3A_201 : memref<!tpu.dma_semaphore, #tpu.memory_space<semaphore_mem>>) src(%dma_wait3A_199 : memref<100000x32xf32, #tpu.memory_space<hbm>>) dst(%dma_wait3A_193 : memref<128x32xf32, #tpu.memory_space<vmem>>)
      %gt3A = arith.constant 0 : i32
      %gt3A_202 = arith.cmpi sgt, %scan3A_164, %gt3A : i32
      %convert_element_type3A = arith.extui %gt3A_202 : i1 to i32
      %cond3A = arith.constant 0 : i32
      %cond3A_203 = arith.cmpi ne, %convert_element_type3A, %cond3A : i32
      scf.if %cond3A_203 {
        %jit3A_572 = arith.constant 4 : i32
        %div3A_573 = arith.divsi %add3A_169, %jit3A_572 : i32
        %sign3A_574 = arith.constant 0 : i32
        %sign3A_575 = arith.cmpi sgt, %add3A_169, %sign3A_574 : i32
        %sign3A_576 = arith.extui %sign3A_575 : i1 to i32
        %sign3A_577 = arith.constant 0 : i32
        %sign3A_578 = arith.cmpi slt, %add3A_169, %sign3A_577 : i32
        %sign3A_579 = arith.extui %sign3A_578 : i1 to i32
        %sign3A_580 = arith.subi %sign3A_576, %sign3A_579 : i32
        %sign3A_581 = arith.constant 0 : i32
        %sign3A_582 = arith.cmpi sgt, %jit3A_572, %sign3A_581 : i32
        %sign3A_583 = arith.extui %sign3A_582 : i1 to i32
        %sign3A_584 = arith.constant 0 : i32
        %sign3A_585 = arith.cmpi slt, %jit3A_572, %sign3A_584 : i32
        %sign3A_586 = arith.extui %sign3A_585 : i1 to i32
        %sign3A_587 = arith.subi %sign3A_583, %sign3A_586 : i32
        %ne3A_588 = arith.cmpi ne, %sign3A_580, %sign3A_587 : i32
        %rem3A_589 = arith.remsi %add3A_169, %jit3A_572 : i32
        %ne3A_590 = arith.constant 0 : i32
        %ne3A_591 = arith.cmpi ne, %rem3A_589, %ne3A_590 : i32
        %and3A_592 = arith.andi %ne3A_588, %ne3A_591 : i1
        %sub3A_593 = arith.constant 1 : i32
        %sub3A_594 = arith.subi %div3A_573, %sub3A_593 : i32
        %select_n3A_595 = arith.select %and3A_592, %sub3A_594, %div3A_573 : i32
        %jit3A_596 = arith.constant 4 : i32
        %eq3A_597 = arith.constant 0 : i32
        %eq3A_598 = arith.cmpi eq, %jit3A_596, %eq3A_597 : i32
        %jit3A_599 = arith.constant 1 : i32
        %select_n3A_600 = arith.select %eq3A_598, %jit3A_599, %jit3A_596 : i32
        %rem3A_601 = arith.remsi %add3A_169, %select_n3A_600 : i32
        %ne3A_602 = arith.constant 0 : i32
        %ne3A_603 = arith.cmpi ne, %rem3A_601, %ne3A_602 : i32
        %lt3A_604 = arith.constant 0 : i32
        %lt3A_605 = arith.cmpi slt, %rem3A_601, %lt3A_604 : i32
        %lt3A_606 = arith.constant 0 : i32
        %lt3A_607 = arith.cmpi slt, %select_n3A_600, %lt3A_606 : i32
        %ne3A_608 = arith.xori %lt3A_605, %lt3A_607 : i1
        %and3A_609 = arith.andi %ne3A_608, %ne3A_603 : i1
        %add3A_610 = arith.addi %rem3A_601, %select_n3A_600 : i32
        %select_n3A_611 = arith.select %and3A_609, %add3A_610, %rem3A_601 : i32
        %dma_wait3A_612 = arith.constant 0 : i32
        %dma_wait3A_613 = arith.constant 0 : i32
        %dma_wait3A_614 = arith.constant 0 : i32
        %dma_wait3A_615 = tpu.memref_slice %arg4[%dma_wait3A_613, %select_n3A_595, %add3A, %select_n3A_611, %dma_wait3A_614] : memref<32x25x32x4x256xf32, #tpu.memory_space<hbm>> -> memref<32x1x1x1x256xf32, #tpu.memory_space<hbm>>
        %dma_wait3A_616 = tpu.memref_squeeze %dma_wait3A_615 : memref<32x1x1x1x256xf32, #tpu.memory_space<hbm>> -> memref<32x256xf32, #tpu.memory_space<hbm>>
        %dma_wait3A_617 = tpu.memref_slice %arg15[%dma_wait3A_612] : memref<4x!tpu.dma_semaphore, #tpu.memory_space<semaphore_mem>> -> memref<1x!tpu.dma_semaphore, #tpu.memory_space<semaphore_mem>>
        %dma_wait3A_618 = tpu.memref_squeeze %dma_wait3A_617 : memref<1x!tpu.dma_semaphore, #tpu.memory_space<semaphore_mem>> -> memref<!tpu.dma_semaphore, #tpu.memory_space<semaphore_mem>>
        %dma_wait3A_619 = arith.constant 0 : i32
        %dma_wait3A_620 = arith.constant 0 : i32
        %dma_wait3A_621 = tpu.memref_slice %arg4[%dma_wait3A_619, %select_n3A_595, %add3A, %select_n3A_611, %dma_wait3A_620] : memref<32x25x32x4x256xf32, #tpu.memory_space<hbm>> -> memref<32x1x1x1x256xf32, #tpu.memory_space<hbm>>
        %dma_wait3A_622 = tpu.memref_squeeze %dma_wait3A_621 : memref<32x1x1x1x256xf32, #tpu.memory_space<hbm>> -> memref<32x256xf32, #tpu.memory_space<hbm>>
        tpu.wait_dma2 semaphore(%dma_wait3A_618 : memref<!tpu.dma_semaphore, #tpu.memory_space<semaphore_mem>>) src(%arg10 : memref<32x256xf32, #tpu.memory_space<vmem>>) dst(%dma_wait3A_622 : memref<32x256xf32, #tpu.memory_space<hbm>>)
      } else {
      }
      %broadcast_in_dim3A = arith.constant 0 : i32
      %broadcast_in_dim3A_204 = vector.broadcast %broadcast_in_dim3A : i32 to vector<16xi32>
      %parallel_loop3A = arith.constant 0 : i32
      %parallel_loop3A_205 = arith.constant 256 : i32
      %parallel_loop3A_206 = arith.constant 1 : i32
      %parallel_loop3A_207 = scf.for %parallel_loop3A_572 = %parallel_loop3A to %parallel_loop3A_205 step %parallel_loop3A_206 iter_args(%parallel_loop3A_573 = %broadcast_in_dim3A_204) -> (vector<16xi32>)  : i32 {
        %parallel_loop3A_574 = arith.index_cast %parallel_loop3A_572 : i32 to index
        %parallel_loop3A_575 = arith.constant 0 : index
        %parallel_loop3A_576 = tpu.vector_load %arg6[%parallel_loop3A_574, %parallel_loop3A_575] {strides = array<i32>} : memref<256x32xf32, #tpu.memory_space<vmem>>, vector<16xf32>,
        tpu.vector_store_idx %arg10[%iota3A, %parallel_loop3A_573], %parallel_loop3A_576 : memref<32x256xf32, #tpu.memory_space<vmem>>[vector<16xi32>, vector<16xi32>], vector<16xf32>,
        %parallel_loop3A_577 = arith.index_cast %parallel_loop3A_572 : i32 to index
        %parallel_loop3A_578 = arith.constant 16 : index
        %parallel_loop3A_579 = tpu.vector_load %arg6[%parallel_loop3A_577, %parallel_loop3A_578] {strides = array<i32>} : memref<256x32xf32, #tpu.memory_space<vmem>>, vector<16xf32>,
        tpu.vector_store_idx %arg10[%add3A_3, %parallel_loop3A_573], %parallel_loop3A_579 : memref<32x256xf32, #tpu.memory_space<vmem>>[vector<16xi32>, vector<16xi32>], vector<16xf32>,
        %parallel_loop3A_580 = arith.constant 1 : i32
        %parallel_loop3A_581 = vector.broadcast %parallel_loop3A_580 : i32 to vector<16xi32>
        %parallel_loop3A_582 = arith.addi %parallel_loop3A_573, %parallel_loop3A_581 : vector<16xi32>
        scf.yield %parallel_loop3A_582 : vector<16xi32>
      } {sc.loop_unroll_factor = 8 : i64, sc.parallel_access}
      %jit3A = arith.constant 4 : i32
      %div3A = arith.divsi %add3A_169, %jit3A : i32
      %sign3A = arith.constant 0 : i32
      %sign3A_208 = arith.cmpi sgt, %add3A_169, %sign3A : i32
      %sign3A_209 = arith.extui %sign3A_208 : i1 to i32
      %sign3A_210 = arith.constant 0 : i32
      %sign3A_211 = arith.cmpi slt, %add3A_169, %sign3A_210 : i32
      %sign3A_212 = arith.extui %sign3A_211 : i1 to i32
      %sign3A_213 = arith.subi %sign3A_209, %sign3A_212 : i32
      %sign3A_214 = arith.constant 0 : i32
      %sign3A_215 = arith.cmpi sgt, %jit3A, %sign3A_214 : i32
      %sign3A_216 = arith.extui %sign3A_215 : i1 to i32
      %sign3A_217 = arith.constant 0 : i32
      %sign3A_218 = arith.cmpi slt, %jit3A, %sign3A_217 : i32
      %sign3A_219 = arith.extui %sign3A_218 : i1 to i32
      %sign3A_220 = arith.subi %sign3A_216, %sign3A_219 : i32
      %ne3A = arith.cmpi ne, %sign3A_213, %sign3A_220 : i32
      %rem3A = arith.remsi %add3A_169, %jit3A : i32
      %ne3A_221 = arith.constant 0 : i32
      %ne3A_222 = arith.cmpi ne, %rem3A, %ne3A_221 : i32
      %and3A = arith.andi %ne3A, %ne3A_222 : i1
      %sub3A = arith.constant 1 : i32
      %sub3A_223 = arith.subi %div3A, %sub3A : i32
      %select_n3A = arith.select %and3A, %sub3A_223, %div3A : i32
      %jit3A_224 = arith.constant 4 : i32
      %eq3A = arith.constant 0 : i32
      %eq3A_225 = arith.cmpi eq, %jit3A_224, %eq3A : i32
      %jit3A_226 = arith.constant 1 : i32
      %select_n3A_227 = arith.select %eq3A_225, %jit3A_226, %jit3A_224 : i32
      %rem3A_228 = arith.remsi %add3A_169, %select_n3A_227 : i32
      %ne3A_229 = arith.constant 0 : i32
      %ne3A_230 = arith.cmpi ne, %rem3A_228, %ne3A_229 : i32
      %lt3A = arith.constant 0 : i32
      %lt3A_231 = arith.cmpi slt, %rem3A_228, %lt3A : i32
      %lt3A_232 = arith.constant 0 : i32
      %lt3A_233 = arith.cmpi slt, %select_n3A_227, %lt3A_232 : i32
      %ne3A_234 = arith.xori %lt3A_231, %lt3A_233 : i1
      %and3A_235 = arith.andi %ne3A_234, %ne3A_230 : i1
      %add3A_236 = arith.addi %rem3A_228, %select_n3A_227 : i32
      %select_n3A_237 = arith.select %and3A_235, %add3A_236, %rem3A_228 : i32
      %dma_start3A_238 = arith.constant 0 : i32
      %dma_start3A_239 = arith.constant 0 : i32
      %dma_start3A_240 = arith.constant 0 : i32
      %dma_start3A_241 = tpu.memref_slice %arg4[%dma_start3A_239, %select_n3A, %add3A, %select_n3A_237, %dma_start3A_240] : memref<32x25x32x4x256xf32, #tpu.memory_space<hbm>> -> memref<32x1x1x1x256xf32, #tpu.memory_space<hbm>>
      %dma_start3A_242 = tpu.memref_squeeze %dma_start3A_241 : memref<32x1x1x1x256xf32, #tpu.memory_space<hbm>> -> memref<32x256xf32, #tpu.memory_space<hbm>>
      %dma_start3A_243 = tpu.memref_slice %arg15[%dma_start3A_238] : memref<4x!tpu.dma_semaphore, #tpu.memory_space<semaphore_mem>> -> memref<1x!tpu.dma_semaphore, #tpu.memory_space<semaphore_mem>>
      %dma_start3A_244 = tpu.memref_squeeze %dma_start3A_243 : memref<1x!tpu.dma_semaphore, #tpu.memory_space<semaphore_mem>> -> memref<!tpu.dma_semaphore, #tpu.memory_space<semaphore_mem>>
      %dma_start3A_245 = arith.constant 0 : i32
      %dma_start3A_246 = arith.constant 0 : i32
      %dma_start3A_247 = tpu.memref_slice %arg4[%dma_start3A_245, %select_n3A, %add3A, %select_n3A_237, %dma_start3A_246] : memref<32x25x32x4x256xf32, #tpu.memory_space<hbm>> -> memref<32x1x1x1x256xf32, #tpu.memory_space<hbm>>
      %dma_start3A_248 = tpu.memref_squeeze %dma_start3A_247 : memref<32x1x1x1x256xf32, #tpu.memory_space<hbm>> -> memref<32x256xf32, #tpu.memory_space<hbm>>
      tpu.enqueue_dma source(%arg10 : memref<32x256xf32, #tpu.memory_space<vmem>>) target(%dma_start3A_248 : memref<32x256xf32, #tpu.memory_space<hbm>>) target_semaphore(%dma_start3A_244 : memref<!tpu.dma_semaphore, #tpu.memory_space<semaphore_mem>>)
      %add3A_249 = arith.constant 4 : i32
      %add3A_250 = arith.addi %add3A_169, %add3A_249 : i32
      %lt3A_251 = arith.constant 100 : i32
      %lt3A_252 = arith.cmpi slt, %add3A_250, %lt3A_251 : i32
      %convert_element_type3A_253 = arith.extui %lt3A_252 : i1 to i32
      %cond3A_254 = arith.constant 0 : i32
      %cond3A_255 = arith.cmpi ne, %convert_element_type3A_253, %cond3A_254 : i32
      scf.if %cond3A_255 {
        %add3A_572 = arith.constant 4 : i32
        %add3A_573 = arith.addi %add3A_169, %add3A_572 : i32
        %mul3A_574 = arith.constant 2 : i32
        %mul3A_575 = arith.muli %add3A_573, %mul3A_574 : i32
        %add3A_576 = arith.constant 0 : i32
        %add3A_577 = arith.addi %mul3A_575, %add3A_576 : i32
        %dma_start3A_578 = arith.constant 0 : i32
        %dma_start3A_579 = arith.constant 0 : i32
        %dma_start3A_580 = arith.constant 0 : i32
        %dma_start3A_581 = tpu.memref_slice %arg6[%dma_start3A_579, %dma_start3A_580] : memref<256x32xf32, #tpu.memory_space<vmem>> -> memref<128x32xf32, #tpu.memory_space<vmem>>
        %dma_start3A_582 = arith.constant 0 : i32
        %dma_start3A_583 = tpu.memref_slice %arg5[%add3A_577, %dma_start3A_582] : memref<200x128xi32, #tpu.memory_space<vmem>> -> memref<1x128xi32, #tpu.memory_space<vmem>>
        %dma_start3A_584 = tpu.memref_squeeze %dma_start3A_583 : memref<1x128xi32, #tpu.memory_space<vmem>> -> memref<128xi32, #tpu.memory_space<vmem>>
        %dma_start3A_585 = arith.constant 0 : i32
        %dma_start3A_586 = arith.constant 0 : i32
        %dma_start3A_587 = tpu.memref_slice %arg3[%dma_start3A_585, %dma_start3A_586] : memref<100000x32xf32, #tpu.memory_space<hbm>> -> memref<100000x32xf32, #tpu.memory_space<hbm>>
        %dma_start3A_588 = tpu.memref_slice %arg14[%dma_start3A_578] : memref<4x!tpu.dma_semaphore, #tpu.memory_space<semaphore_mem>> -> memref<1x!tpu.dma_semaphore, #tpu.memory_space<semaphore_mem>>
        %dma_start3A_589 = tpu.memref_squeeze %dma_start3A_588 : memref<1x!tpu.dma_semaphore, #tpu.memory_space<semaphore_mem>> -> memref<!tpu.dma_semaphore, #tpu.memory_space<semaphore_mem>>
        tpu.enqueue_indirect_dma source(%dma_start3A_587 : memref<100000x32xf32, #tpu.memory_space<hbm>>) target(%dma_start3A_581 : memref<128x32xf32, #tpu.memory_space<vmem>>) offsets(%dma_start3A_584 : memref<128xi32, #tpu.memory_space<vmem>>) semaphore(%dma_start3A_589 : memref<!tpu.dma_semaphore, #tpu.memory_space<semaphore_mem>>)
        %mul3A_590 = arith.constant 2 : i32
        %mul3A_591 = arith.muli %add3A_573, %mul3A_590 : i32
        %add3A_592 = arith.constant 1 : i32
        %add3A_593 = arith.addi %mul3A_591, %add3A_592 : i32
        %dma_start3A_594 = arith.constant 0 : i32
        %dma_start3A_595 = arith.constant 128 : i32
        %dma_start3A_596 = arith.constant 0 : i32
        %dma_start3A_597 = tpu.memref_slice %arg6[%dma_start3A_595, %dma_start3A_596] : memref<256x32xf32, #tpu.memory_space<vmem>> -> memref<128x32xf32, #tpu.memory_space<vmem>>
        %dma_start3A_598 = arith.constant 0 : i32
        %dma_start3A_599 = tpu.memref_slice %arg5[%add3A_593, %dma_start3A_598] : memref<200x128xi32, #tpu.memory_space<vmem>> -> memref<1x128xi32, #tpu.memory_space<vmem>>
        %dma_start3A_600 = tpu.memref_squeeze %dma_start3A_599 : memref<1x128xi32, #tpu.memory_space<vmem>> -> memref<128xi32, #tpu.memory_space<vmem>>
        %dma_start3A_601 = arith.constant 0 : i32
        %dma_start3A_602 = arith.constant 0 : i32
        %dma_start3A_603 = tpu.memref_slice %arg3[%dma_start3A_601, %dma_start3A_602] : memref<100000x32xf32, #tpu.memory_space<hbm>> -> memref<100000x32xf32, #tpu.memory_space<hbm>>
        %dma_start3A_604 = tpu.memref_slice %arg14[%dma_start3A_594] : memref<4x!tpu.dma_semaphore, #tpu.memory_space<semaphore_mem>> -> memref<1x!tpu.dma_semaphore, #tpu.memory_space<semaphore_mem>>
        %dma_start3A_605 = tpu.memref_squeeze %dma_start3A_604 : memref<1x!tpu.dma_semaphore, #tpu.memory_space<semaphore_mem>> -> memref<!tpu.dma_semaphore, #tpu.memory_space<semaphore_mem>>
        tpu.enqueue_indirect_dma source(%dma_start3A_603 : memref<100000x32xf32, #tpu.memory_space<hbm>>) target(%dma_start3A_597 : memref<128x32xf32, #tpu.memory_space<vmem>>) offsets(%dma_start3A_600 : memref<128xi32, #tpu.memory_space<vmem>>) semaphore(%dma_start3A_605 : memref<!tpu.dma_semaphore, #tpu.memory_space<semaphore_mem>>)
      } else {
      }
      %mul3A_256 = arith.constant 4 : i32
      %mul3A_257 = arith.muli %scan3A_164, %mul3A_256 : i32
      %add3A_258 = arith.constant 1 : i32
      %add3A_259 = arith.addi %mul3A_257, %add3A_258 : i32
      %mul3A_260 = arith.constant 2 : i32
      %mul3A_261 = arith.muli %add3A_259, %mul3A_260 : i32
      %add3A_262 = arith.constant 0 : i32
      %add3A_263 = arith.addi %mul3A_261, %add3A_262 : i32
      %dma_wait3A_264 = arith.constant 1 : i32
      %dma_wait3A_265 = arith.constant 0 : i32
      %dma_wait3A_266 = arith.constant 0 : i32
      %dma_wait3A_267 = tpu.memref_slice %arg7[%dma_wait3A_265, %dma_wait3A_266] : memref<256x32xf32, #tpu.memory_space<vmem>> -> memref<128x32xf32, #tpu.memory_space<vmem>>
      %dma_wait3A_268 = arith.constant 0 : i32
      %dma_wait3A_269 = tpu.memref_slice %arg5[%add3A_263, %dma_wait3A_268] : memref<200x128xi32, #tpu.memory_space<vmem>> -> memref<1x128xi32, #tpu.memory_space<vmem>>
      %dma_wait3A_270 = tpu.memref_squeeze %dma_wait3A_269 : memref<1x128xi32, #tpu.memory_space<vmem>> -> memref<128xi32, #tpu.memory_space<vmem>>
      %dma_wait3A_271 = arith.constant 0 : i32
      %dma_wait3A_272 = arith.constant 0 : i32
      %dma_wait3A_273 = tpu.memref_slice %arg3[%dma_wait3A_271, %dma_wait3A_272] : memref<100000x32xf32, #tpu.memory_space<hbm>> -> memref<100000x32xf32, #tpu.memory_space<hbm>>
      %dma_wait3A_274 = tpu.memref_slice %arg14[%dma_wait3A_264] : memref<4x!tpu.dma_semaphore, #tpu.memory_space<semaphore_mem>> -> memref<1x!tpu.dma_semaphore, #tpu.memory_space<semaphore_mem>>
      %dma_wait3A_275 = tpu.memref_squeeze %dma_wait3A_274 : memref<1x!tpu.dma_semaphore, #tpu.memory_space<semaphore_mem>> -> memref<!tpu.dma_semaphore, #tpu.memory_space<semaphore_mem>>
      tpu.wait_indirect_dma semaphore(%dma_wait3A_275 : memref<!tpu.dma_semaphore, #tpu.memory_space<semaphore_mem>>) src(%dma_wait3A_273 : memref<100000x32xf32, #tpu.memory_space<hbm>>) dst(%dma_wait3A_267 : memref<128x32xf32, #tpu.memory_space<vmem>>)
      %mul3A_276 = arith.constant 2 : i32
      %mul3A_277 = arith.muli %add3A_259, %mul3A_276 : i32
      %add3A_278 = arith.constant 1 : i32
      %add3A_279 = arith.addi %mul3A_277, %add3A_278 : i32
      %dma_wait3A_280 = arith.constant 1 : i32
      %dma_wait3A_281 = arith.constant 128 : i32
      %dma_wait3A_282 = arith.constant 0 : i32
      %dma_wait3A_283 = tpu.memref_slice %arg7[%dma_wait3A_281, %dma_wait3A_282] : memref<256x32xf32, #tpu.memory_space<vmem>> -> memref<128x32xf32, #tpu.memory_space<vmem>>
      %dma_wait3A_284 = arith.constant 0 : i32
      %dma_wait3A_285 = tpu.memref_slice %arg5[%add3A_279, %dma_wait3A_284] : memref<200x128xi32, #tpu.memory_space<vmem>> -> memref<1x128xi32, #tpu.memory_space<vmem>>
      %dma_wait3A_286 = tpu.memref_squeeze %dma_wait3A_285 : memref<1x128xi32, #tpu.memory_space<vmem>> -> memref<128xi32, #tpu.memory_space<vmem>>
      %dma_wait3A_287 = arith.constant 0 : i32
      %dma_wait3A_288 = arith.constant 0 : i32
      %dma_wait3A_289 = tpu.memref_slice %arg3[%dma_wait3A_287, %dma_wait3A_288] : memref<100000x32xf32, #tpu.memory_space<hbm>> -> memref<100000x32xf32, #tpu.memory_space<hbm>>
      %dma_wait3A_290 = tpu.memref_slice %arg14[%dma_wait3A_280] : memref<4x!tpu.dma_semaphore, #tpu.memory_space<semaphore_mem>> -> memref<1x!tpu.dma_semaphore, #tpu.memory_space<semaphore_mem>>
      %dma_wait3A_291 = tpu.memref_squeeze %dma_wait3A_290 : memref<1x!tpu.dma_semaphore, #tpu.memory_space<semaphore_mem>> -> memref<!tpu.dma_semaphore, #tpu.memory_space<semaphore_mem>>
      tpu.wait_indirect_dma semaphore(%dma_wait3A_291 : memref<!tpu.dma_semaphore, #tpu.memory_space<semaphore_mem>>) src(%dma_wait3A_289 : memref<100000x32xf32, #tpu.memory_space<hbm>>) dst(%dma_wait3A_283 : memref<128x32xf32, #tpu.memory_space<vmem>>)
      %gt3A_292 = arith.constant 0 : i32
      %gt3A_293 = arith.cmpi sgt, %scan3A_164, %gt3A_292 : i32
      %convert_element_type3A_294 = arith.extui %gt3A_293 : i1 to i32
      %cond3A_295 = arith.constant 0 : i32
      %cond3A_296 = arith.cmpi ne, %convert_element_type3A_294, %cond3A_295 : i32
      scf.if %cond3A_296 {
        %jit3A_572 = arith.constant 4 : i32
        %div3A_573 = arith.divsi %add3A_259, %jit3A_572 : i32
        %sign3A_574 = arith.constant 0 : i32
        %sign3A_575 = arith.cmpi sgt, %add3A_259, %sign3A_574 : i32
        %sign3A_576 = arith.extui %sign3A_575 : i1 to i32
        %sign3A_577 = arith.constant 0 : i32
        %sign3A_578 = arith.cmpi slt, %add3A_259, %sign3A_577 : i32
        %sign3A_579 = arith.extui %sign3A_578 : i1 to i32
        %sign3A_580 = arith.subi %sign3A_576, %sign3A_579 : i32
        %sign3A_581 = arith.constant 0 : i32
        %sign3A_582 = arith.cmpi sgt, %jit3A_572, %sign3A_581 : i32
        %sign3A_583 = arith.extui %sign3A_582 : i1 to i32
        %sign3A_584 = arith.constant 0 : i32
        %sign3A_585 = arith.cmpi slt, %jit3A_572, %sign3A_584 : i32
        %sign3A_586 = arith.extui %sign3A_585 : i1 to i32
        %sign3A_587 = arith.subi %sign3A_583, %sign3A_586 : i32
        %ne3A_588 = arith.cmpi ne, %sign3A_580, %sign3A_587 : i32
        %rem3A_589 = arith.remsi %add3A_259, %jit3A_572 : i32
        %ne3A_590 = arith.constant 0 : i32
        %ne3A_591 = arith.cmpi ne, %rem3A_589, %ne3A_590 : i32
        %and3A_592 = arith.andi %ne3A_588, %ne3A_591 : i1
        %sub3A_593 = arith.constant 1 : i32
        %sub3A_594 = arith.subi %div3A_573, %sub3A_593 : i32
        %select_n3A_595 = arith.select %and3A_592, %sub3A_594, %div3A_573 : i32
        %jit3A_596 = arith.constant 4 : i32
        %eq3A_597 = arith.constant 0 : i32
        %eq3A_598 = arith.cmpi eq, %jit3A_596, %eq3A_597 : i32
        %jit3A_599 = arith.constant 1 : i32
        %select_n3A_600 = arith.select %eq3A_598, %jit3A_599, %jit3A_596 : i32
        %rem3A_601 = arith.remsi %add3A_259, %select_n3A_600 : i32
        %ne3A_602 = arith.constant 0 : i32
        %ne3A_603 = arith.cmpi ne, %rem3A_601, %ne3A_602 : i32
        %lt3A_604 = arith.constant 0 : i32
        %lt3A_605 = arith.cmpi slt, %rem3A_601, %lt3A_604 : i32
        %lt3A_606 = arith.constant 0 : i32
        %lt3A_607 = arith.cmpi slt, %select_n3A_600, %lt3A_606 : i32
        %ne3A_608 = arith.xori %lt3A_605, %lt3A_607 : i1
        %and3A_609 = arith.andi %ne3A_608, %ne3A_603 : i1
        %add3A_610 = arith.addi %rem3A_601, %select_n3A_600 : i32
        %select_n3A_611 = arith.select %and3A_609, %add3A_610, %rem3A_601 : i32
        %dma_wait3A_612 = arith.constant 1 : i32
        %dma_wait3A_613 = arith.constant 0 : i32
        %dma_wait3A_614 = arith.constant 0 : i32
        %dma_wait3A_615 = tpu.memref_slice %arg4[%dma_wait3A_613, %select_n3A_595, %add3A, %select_n3A_611, %dma_wait3A_614] : memref<32x25x32x4x256xf32, #tpu.memory_space<hbm>> -> memref<32x1x1x1x256xf32, #tpu.memory_space<hbm>>
        %dma_wait3A_616 = tpu.memref_squeeze %dma_wait3A_615 : memref<32x1x1x1x256xf32, #tpu.memory_space<hbm>> -> memref<32x256xf32, #tpu.memory_space<hbm>>
        %dma_wait3A_617 = tpu.memref_slice %arg15[%dma_wait3A_612] : memref<4x!tpu.dma_semaphore, #tpu.memory_space<semaphore_mem>> -> memref<1x!tpu.dma_semaphore, #tpu.memory_space<semaphore_mem>>
        %dma_wait3A_618 = tpu.memref_squeeze %dma_wait3A_617 : memref<1x!tpu.dma_semaphore, #tpu.memory_space<semaphore_mem>> -> memref<!tpu.dma_semaphore, #tpu.memory_space<semaphore_mem>>
        %dma_wait3A_619 = arith.constant 0 : i32
        %dma_wait3A_620 = arith.constant 0 : i32
        %dma_wait3A_621 = tpu.memref_slice %arg4[%dma_wait3A_619, %select_n3A_595, %add3A, %select_n3A_611, %dma_wait3A_620] : memref<32x25x32x4x256xf32, #tpu.memory_space<hbm>> -> memref<32x1x1x1x256xf32, #tpu.memory_space<hbm>>
        %dma_wait3A_622 = tpu.memref_squeeze %dma_wait3A_621 : memref<32x1x1x1x256xf32, #tpu.memory_space<hbm>> -> memref<32x256xf32, #tpu.memory_space<hbm>>
        tpu.wait_dma2 semaphore(%dma_wait3A_618 : memref<!tpu.dma_semaphore, #tpu.memory_space<semaphore_mem>>) src(%arg11 : memref<32x256xf32, #tpu.memory_space<vmem>>) dst(%dma_wait3A_622 : memref<32x256xf32, #tpu.memory_space<hbm>>)
      } else {
      }
      %broadcast_in_dim3A_297 = arith.constant 0 : i32
      %broadcast_in_dim3A_298 = vector.broadcast %broadcast_in_dim3A_297 : i32 to vector<16xi32>
      %parallel_loop3A_299 = arith.constant 0 : i32
      %parallel_loop3A_300 = arith.constant 256 : i32
      %parallel_loop3A_301 = arith.constant 1 : i32
      %parallel_loop3A_302 = scf.for %parallel_loop3A_572 = %parallel_loop3A_299 to %parallel_loop3A_300 step %parallel_loop3A_301 iter_args(%parallel_loop3A_573 = %broadcast_in_dim3A_298) -> (vector<16xi32>)  : i32 {
        %parallel_loop3A_574 = arith.index_cast %parallel_loop3A_572 : i32 to index
        %parallel_loop3A_575 = arith.constant 0 : index
        %parallel_loop3A_576 = tpu.vector_load %arg7[%parallel_loop3A_574, %parallel_loop3A_575] {strides = array<i32>} : memref<256x32xf32, #tpu.memory_space<vmem>>, vector<16xf32>,
        tpu.vector_store_idx %arg11[%iota3A, %parallel_loop3A_573], %parallel_loop3A_576 : memref<32x256xf32, #tpu.memory_space<vmem>>[vector<16xi32>, vector<16xi32>], vector<16xf32>,
        %parallel_loop3A_577 = arith.index_cast %parallel_loop3A_572 : i32 to index
        %parallel_loop3A_578 = arith.constant 16 : index
        %parallel_loop3A_579 = tpu.vector_load %arg7[%parallel_loop3A_577, %parallel_loop3A_578] {strides = array<i32>} : memref<256x32xf32, #tpu.memory_space<vmem>>, vector<16xf32>,
        tpu.vector_store_idx %arg11[%add3A_3, %parallel_loop3A_573], %parallel_loop3A_579 : memref<32x256xf32, #tpu.memory_space<vmem>>[vector<16xi32>, vector<16xi32>], vector<16xf32>,
        %parallel_loop3A_580 = arith.constant 1 : i32
        %parallel_loop3A_581 = vector.broadcast %parallel_loop3A_580 : i32 to vector<16xi32>
        %parallel_loop3A_582 = arith.addi %parallel_loop3A_573, %parallel_loop3A_581 : vector<16xi32>
        scf.yield %parallel_loop3A_582 : vector<16xi32>
      } {sc.loop_unroll_factor = 8 : i64, sc.parallel_access}
      %jit3A_303 = arith.constant 4 : i32
      %div3A_304 = arith.divsi %add3A_259, %jit3A_303 : i32
      %sign3A_305 = arith.constant 0 : i32
      %sign3A_306 = arith.cmpi sgt, %add3A_259, %sign3A_305 : i32
      %sign3A_307 = arith.extui %sign3A_306 : i1 to i32
      %sign3A_308 = arith.constant 0 : i32
      %sign3A_309 = arith.cmpi slt, %add3A_259, %sign3A_308 : i32
      %sign3A_310 = arith.extui %sign3A_309 : i1 to i32
      %sign3A_311 = arith.subi %sign3A_307, %sign3A_310 : i32
      %sign3A_312 = arith.constant 0 : i32
      %sign3A_313 = arith.cmpi sgt, %jit3A_303, %sign3A_312 : i32
      %sign3A_314 = arith.extui %sign3A_313 : i1 to i32
      %sign3A_315 = arith.constant 0 : i32
      %sign3A_316 = arith.cmpi slt, %jit3A_303, %sign3A_315 : i32
      %sign3A_317 = arith.extui %sign3A_316 : i1 to i32
      %sign3A_318 = arith.subi %sign3A_314, %sign3A_317 : i32
      %ne3A_319 = arith.cmpi ne, %sign3A_311, %sign3A_318 : i32
      %rem3A_320 = arith.remsi %add3A_259, %jit3A_303 : i32
      %ne3A_321 = arith.constant 0 : i32
      %ne3A_322 = arith.cmpi ne, %rem3A_320, %ne3A_321 : i32
      %and3A_323 = arith.andi %ne3A_319, %ne3A_322 : i1
      %sub3A_324 = arith.constant 1 : i32
      %sub3A_325 = arith.subi %div3A_304, %sub3A_324 : i32
      %select_n3A_326 = arith.select %and3A_323, %sub3A_325, %div3A_304 : i32
      %jit3A_327 = arith.constant 4 : i32
      %eq3A_328 = arith.constant 0 : i32
      %eq3A_329 = arith.cmpi eq, %jit3A_327, %eq3A_328 : i32
      %jit3A_330 = arith.constant 1 : i32
      %select_n3A_331 = arith.select %eq3A_329, %jit3A_330, %jit3A_327 : i32
      %rem3A_332 = arith.remsi %add3A_259, %select_n3A_331 : i32
      %ne3A_333 = arith.constant 0 : i32
      %ne3A_334 = arith.cmpi ne, %rem3A_332, %ne3A_333 : i32
      %lt3A_335 = arith.constant 0 : i32
      %lt3A_336 = arith.cmpi slt, %rem3A_332, %lt3A_335 : i32
      %lt3A_337 = arith.constant 0 : i32
      %lt3A_338 = arith.cmpi slt, %select_n3A_331, %lt3A_337 : i32
      %ne3A_339 = arith.xori %lt3A_336, %lt3A_338 : i1
      %and3A_340 = arith.andi %ne3A_339, %ne3A_334 : i1
      %add3A_341 = arith.addi %rem3A_332, %select_n3A_331 : i32
      %select_n3A_342 = arith.select %and3A_340, %add3A_341, %rem3A_332 : i32
      %dma_start3A_343 = arith.constant 1 : i32
      %dma_start3A_344 = arith.constant 0 : i32
      %dma_start3A_345 = arith.constant 0 : i32
      %dma_start3A_346 = tpu.memref_slice %arg4[%dma_start3A_344, %select_n3A_326, %add3A, %select_n3A_342, %dma_start3A_345] : memref<32x25x32x4x256xf32, #tpu.memory_space<hbm>> -> memref<32x1x1x1x256xf32, #tpu.memory_space<hbm>>
      %dma_start3A_347 = tpu.memref_squeeze %dma_start3A_346 : memref<32x1x1x1x256xf32, #tpu.memory_space<hbm>> -> memref<32x256xf32, #tpu.memory_space<hbm>>
      %dma_start3A_348 = tpu.memref_slice %arg15[%dma_start3A_343] : memref<4x!tpu.dma_semaphore, #tpu.memory_space<semaphore_mem>> -> memref<1x!tpu.dma_semaphore, #tpu.memory_space<semaphore_mem>>
      %dma_start3A_349 = tpu.memref_squeeze %dma_start3A_348 : memref<1x!tpu.dma_semaphore, #tpu.memory_space<semaphore_mem>> -> memref<!tpu.dma_semaphore, #tpu.memory_space<semaphore_mem>>
      %dma_start3A_350 = arith.constant 0 : i32
      %dma_start3A_351 = arith.constant 0 : i32
      %dma_start3A_352 = tpu.memref_slice %arg4[%dma_start3A_350, %select_n3A_326, %add3A, %select_n3A_342, %dma_start3A_351] : memref<32x25x32x4x256xf32, #tpu.memory_space<hbm>> -> memref<32x1x1x1x256xf32, #tpu.memory_space<hbm>>
      %dma_start3A_353 = tpu.memref_squeeze %dma_start3A_352 : memref<32x1x1x1x256xf32, #tpu.memory_space<hbm>> -> memref<32x256xf32, #tpu.memory_space<hbm>>
      tpu.enqueue_dma source(%arg11 : memref<32x256xf32, #tpu.memory_space<vmem>>) target(%dma_start3A_353 : memref<32x256xf32, #tpu.memory_space<hbm>>) target_semaphore(%dma_start3A_349 : memref<!tpu.dma_semaphore, #tpu.memory_space<semaphore_mem>>)
      %add3A_354 = arith.constant 4 : i32
      %add3A_355 = arith.addi %add3A_259, %add3A_354 : i32
      %lt3A_356 = arith.constant 100 : i32
      %lt3A_357 = arith.cmpi slt, %add3A_355, %lt3A_356 : i32
      %convert_element_type3A_358 = arith.extui %lt3A_357 : i1 to i32
      %cond3A_359 = arith.constant 0 : i32
      %cond3A_360 = arith.cmpi ne, %convert_element_type3A_358, %cond3A_359 : i32
      scf.if %cond3A_360 {
        %add3A_572 = arith.constant 4 : i32
        %add3A_573 = arith.addi %add3A_259, %add3A_572 : i32
        %mul3A_574 = arith.constant 2 : i32
        %mul3A_575 = arith.muli %add3A_573, %mul3A_574 : i32
        %add3A_576 = arith.constant 0 : i32
        %add3A_577 = arith.addi %mul3A_575, %add3A_576 : i32
        %dma_start3A_578 = arith.constant 1 : i32
        %dma_start3A_579 = arith.constant 0 : i32
        %dma_start3A_580 = arith.constant 0 : i32
        %dma_start3A_581 = tpu.memref_slice %arg7[%dma_start3A_579, %dma_start3A_580] : memref<256x32xf32, #tpu.memory_space<vmem>> -> memref<128x32xf32, #tpu.memory_space<vmem>>
        %dma_start3A_582 = arith.constant 0 : i32
        %dma_start3A_583 = tpu.memref_slice %arg5[%add3A_577, %dma_start3A_582] : memref<200x128xi32, #tpu.memory_space<vmem>> -> memref<1x128xi32, #tpu.memory_space<vmem>>
        %dma_start3A_584 = tpu.memref_squeeze %dma_start3A_583 : memref<1x128xi32, #tpu.memory_space<vmem>> -> memref<128xi32, #tpu.memory_space<vmem>>
        %dma_start3A_585 = arith.constant 0 : i32
        %dma_start3A_586 = arith.constant 0 : i32
        %dma_start3A_587 = tpu.memref_slice %arg3[%dma_start3A_585, %dma_start3A_586] : memref<100000x32xf32, #tpu.memory_space<hbm>> -> memref<100000x32xf32, #tpu.memory_space<hbm>>
        %dma_start3A_588 = tpu.memref_slice %arg14[%dma_start3A_578] : memref<4x!tpu.dma_semaphore, #tpu.memory_space<semaphore_mem>> -> memref<1x!tpu.dma_semaphore, #tpu.memory_space<semaphore_mem>>
        %dma_start3A_589 = tpu.memref_squeeze %dma_start3A_588 : memref<1x!tpu.dma_semaphore, #tpu.memory_space<semaphore_mem>> -> memref<!tpu.dma_semaphore, #tpu.memory_space<semaphore_mem>>
        tpu.enqueue_indirect_dma source(%dma_start3A_587 : memref<100000x32xf32, #tpu.memory_space<hbm>>) target(%dma_start3A_581 : memref<128x32xf32, #tpu.memory_space<vmem>>) offsets(%dma_start3A_584 : memref<128xi32, #tpu.memory_space<vmem>>) semaphore(%dma_start3A_589 : memref<!tpu.dma_semaphore, #tpu.memory_space<semaphore_mem>>)
        %mul3A_590 = arith.constant 2 : i32
        %mul3A_591 = arith.muli %add3A_573, %mul3A_590 : i32
        %add3A_592 = arith.constant 1 : i32
        %add3A_593 = arith.addi %mul3A_591, %add3A_592 : i32
        %dma_start3A_594 = arith.constant 1 : i32
        %dma_start3A_595 = arith.constant 128 : i32
        %dma_start3A_596 = arith.constant 0 : i32
        %dma_start3A_597 = tpu.memref_slice %arg7[%dma_start3A_595, %dma_start3A_596] : memref<256x32xf32, #tpu.memory_space<vmem>> -> memref<128x32xf32, #tpu.memory_space<vmem>>
        %dma_start3A_598 = arith.constant 0 : i32
        %dma_start3A_599 = tpu.memref_slice %arg5[%add3A_593, %dma_start3A_598] : memref<200x128xi32, #tpu.memory_space<vmem>> -> memref<1x128xi32, #tpu.memory_space<vmem>>
        %dma_start3A_600 = tpu.memref_squeeze %dma_start3A_599 : memref<1x128xi32, #tpu.memory_space<vmem>> -> memref<128xi32, #tpu.memory_space<vmem>>
        %dma_start3A_601 = arith.constant 0 : i32
        %dma_start3A_602 = arith.constant 0 : i32
        %dma_start3A_603 = tpu.memref_slice %arg3[%dma_start3A_601, %dma_start3A_602] : memref<100000x32xf32, #tpu.memory_space<hbm>> -> memref<100000x32xf32, #tpu.memory_space<hbm>>
        %dma_start3A_604 = tpu.memref_slice %arg14[%dma_start3A_594] : memref<4x!tpu.dma_semaphore, #tpu.memory_space<semaphore_mem>> -> memref<1x!tpu.dma_semaphore, #tpu.memory_space<semaphore_mem>>
        %dma_start3A_605 = tpu.memref_squeeze %dma_start3A_604 : memref<1x!tpu.dma_semaphore, #tpu.memory_space<semaphore_mem>> -> memref<!tpu.dma_semaphore, #tpu.memory_space<semaphore_mem>>
        tpu.enqueue_indirect_dma source(%dma_start3A_603 : memref<100000x32xf32, #tpu.memory_space<hbm>>) target(%dma_start3A_597 : memref<128x32xf32, #tpu.memory_space<vmem>>) offsets(%dma_start3A_600 : memref<128xi32, #tpu.memory_space<vmem>>) semaphore(%dma_start3A_605 : memref<!tpu.dma_semaphore, #tpu.memory_space<semaphore_mem>>)
      } else {
      }
      %mul3A_361 = arith.constant 4 : i32
      %mul3A_362 = arith.muli %scan3A_164, %mul3A_361 : i32
      %add3A_363 = arith.constant 2 : i32
      %add3A_364 = arith.addi %mul3A_362, %add3A_363 : i32
      %mul3A_365 = arith.constant 2 : i32
      %mul3A_366 = arith.muli %add3A_364, %mul3A_365 : i32
      %add3A_367 = arith.constant 0 : i32
      %add3A_368 = arith.addi %mul3A_366, %add3A_367 : i32
      %dma_wait3A_369 = arith.constant 2 : i32
      %dma_wait3A_370 = arith.constant 0 : i32
      %dma_wait3A_371 = arith.constant 0 : i32
      %dma_wait3A_372 = tpu.memref_slice %arg8[%dma_wait3A_370, %dma_wait3A_371] : memref<256x32xf32, #tpu.memory_space<vmem>> -> memref<128x32xf32, #tpu.memory_space<vmem>>
      %dma_wait3A_373 = arith.constant 0 : i32
      %dma_wait3A_374 = tpu.memref_slice %arg5[%add3A_368, %dma_wait3A_373] : memref<200x128xi32, #tpu.memory_space<vmem>> -> memref<1x128xi32, #tpu.memory_space<vmem>>
      %dma_wait3A_375 = tpu.memref_squeeze %dma_wait3A_374 : memref<1x128xi32, #tpu.memory_space<vmem>> -> memref<128xi32, #tpu.memory_space<vmem>>
      %dma_wait3A_376 = arith.constant 0 : i32
      %dma_wait3A_377 = arith.constant 0 : i32
      %dma_wait3A_378 = tpu.memref_slice %arg3[%dma_wait3A_376, %dma_wait3A_377] : memref<100000x32xf32, #tpu.memory_space<hbm>> -> memref<100000x32xf32, #tpu.memory_space<hbm>>
      %dma_wait3A_379 = tpu.memref_slice %arg14[%dma_wait3A_369] : memref<4x!tpu.dma_semaphore, #tpu.memory_space<semaphore_mem>> -> memref<1x!tpu.dma_semaphore, #tpu.memory_space<semaphore_mem>>
      %dma_wait3A_380 = tpu.memref_squeeze %dma_wait3A_379 : memref<1x!tpu.dma_semaphore, #tpu.memory_space<semaphore_mem>> -> memref<!tpu.dma_semaphore, #tpu.memory_space<semaphore_mem>>
      tpu.wait_indirect_dma semaphore(%dma_wait3A_380 : memref<!tpu.dma_semaphore, #tpu.memory_space<semaphore_mem>>) src(%dma_wait3A_378 : memref<100000x32xf32, #tpu.memory_space<hbm>>) dst(%dma_wait3A_372 : memref<128x32xf32, #tpu.memory_space<vmem>>)
      %mul3A_381 = arith.constant 2 : i32
      %mul3A_382 = arith.muli %add3A_364, %mul3A_381 : i32
      %add3A_383 = arith.constant 1 : i32
      %add3A_384 = arith.addi %mul3A_382, %add3A_383 : i32
      %dma_wait3A_385 = arith.constant 2 : i32
      %dma_wait3A_386 = arith.constant 128 : i32
      %dma_wait3A_387 = arith.constant 0 : i32
      %dma_wait3A_388 = tpu.memref_slice %arg8[%dma_wait3A_386, %dma_wait3A_387] : memref<256x32xf32, #tpu.memory_space<vmem>> -> memref<128x32xf32, #tpu.memory_space<vmem>>
      %dma_wait3A_389 = arith.constant 0 : i32
      %dma_wait3A_390 = tpu.memref_slice %arg5[%add3A_384, %dma_wait3A_389] : memref<200x128xi32, #tpu.memory_space<vmem>> -> memref<1x128xi32, #tpu.memory_space<vmem>>
      %dma_wait3A_391 = tpu.memref_squeeze %dma_wait3A_390 : memref<1x128xi32, #tpu.memory_space<vmem>> -> memref<128xi32, #tpu.memory_space<vmem>>
      %dma_wait3A_392 = arith.constant 0 : i32
      %dma_wait3A_393 = arith.constant 0 : i32
      %dma_wait3A_394 = tpu.memref_slice %arg3[%dma_wait3A_392, %dma_wait3A_393] : memref<100000x32xf32, #tpu.memory_space<hbm>> -> memref<100000x32xf32, #tpu.memory_space<hbm>>
      %dma_wait3A_395 = tpu.memref_slice %arg14[%dma_wait3A_385] : memref<4x!tpu.dma_semaphore, #tpu.memory_space<semaphore_mem>> -> memref<1x!tpu.dma_semaphore, #tpu.memory_space<semaphore_mem>>
      %dma_wait3A_396 = tpu.memref_squeeze %dma_wait3A_395 : memref<1x!tpu.dma_semaphore, #tpu.memory_space<semaphore_mem>> -> memref<!tpu.dma_semaphore, #tpu.memory_space<semaphore_mem>>
      tpu.wait_indirect_dma semaphore(%dma_wait3A_396 : memref<!tpu.dma_semaphore, #tpu.memory_space<semaphore_mem>>) src(%dma_wait3A_394 : memref<100000x32xf32, #tpu.memory_space<hbm>>) dst(%dma_wait3A_388 : memref<128x32xf32, #tpu.memory_space<vmem>>)
      %gt3A_397 = arith.constant 0 : i32
      %gt3A_398 = arith.cmpi sgt, %scan3A_164, %gt3A_397 : i32
      %convert_element_type3A_399 = arith.extui %gt3A_398 : i1 to i32
      %cond3A_400 = arith.constant 0 : i32
      %cond3A_401 = arith.cmpi ne, %convert_element_type3A_399, %cond3A_400 : i32
      scf.if %cond3A_401 {
        %jit3A_572 = arith.constant 4 : i32
        %div3A_573 = arith.divsi %add3A_364, %jit3A_572 : i32
        %sign3A_574 = arith.constant 0 : i32
        %sign3A_575 = arith.cmpi sgt, %add3A_364, %sign3A_574 : i32
        %sign3A_576 = arith.extui %sign3A_575 : i1 to i32
        %sign3A_577 = arith.constant 0 : i32
        %sign3A_578 = arith.cmpi slt, %add3A_364, %sign3A_577 : i32
        %sign3A_579 = arith.extui %sign3A_578 : i1 to i32
        %sign3A_580 = arith.subi %sign3A_576, %sign3A_579 : i32
        %sign3A_581 = arith.constant 0 : i32
        %sign3A_582 = arith.cmpi sgt, %jit3A_572, %sign3A_581 : i32
        %sign3A_583 = arith.extui %sign3A_582 : i1 to i32
        %sign3A_584 = arith.constant 0 : i32
        %sign3A_585 = arith.cmpi slt, %jit3A_572, %sign3A_584 : i32
        %sign3A_586 = arith.extui %sign3A_585 : i1 to i32
        %sign3A_587 = arith.subi %sign3A_583, %sign3A_586 : i32
        %ne3A_588 = arith.cmpi ne, %sign3A_580, %sign3A_587 : i32
        %rem3A_589 = arith.remsi %add3A_364, %jit3A_572 : i32
        %ne3A_590 = arith.constant 0 : i32
        %ne3A_591 = arith.cmpi ne, %rem3A_589, %ne3A_590 : i32
        %and3A_592 = arith.andi %ne3A_588, %ne3A_591 : i1
        %sub3A_593 = arith.constant 1 : i32
        %sub3A_594 = arith.subi %div3A_573, %sub3A_593 : i32
        %select_n3A_595 = arith.select %and3A_592, %sub3A_594, %div3A_573 : i32
        %jit3A_596 = arith.constant 4 : i32
        %eq3A_597 = arith.constant 0 : i32
        %eq3A_598 = arith.cmpi eq, %jit3A_596, %eq3A_597 : i32
        %jit3A_599 = arith.constant 1 : i32
        %select_n3A_600 = arith.select %eq3A_598, %jit3A_599, %jit3A_596 : i32
        %rem3A_601 = arith.remsi %add3A_364, %select_n3A_600 : i32
        %ne3A_602 = arith.constant 0 : i32
        %ne3A_603 = arith.cmpi ne, %rem3A_601, %ne3A_602 : i32
        %lt3A_604 = arith.constant 0 : i32
        %lt3A_605 = arith.cmpi slt, %rem3A_601, %lt3A_604 : i32
        %lt3A_606 = arith.constant 0 : i32
        %lt3A_607 = arith.cmpi slt, %select_n3A_600, %lt3A_606 : i32
        %ne3A_608 = arith.xori %lt3A_605, %lt3A_607 : i1
        %and3A_609 = arith.andi %ne3A_608, %ne3A_603 : i1
        %add3A_610 = arith.addi %rem3A_601, %select_n3A_600 : i32
        %select_n3A_611 = arith.select %and3A_609, %add3A_610, %rem3A_601 : i32
        %dma_wait3A_612 = arith.constant 2 : i32
        %dma_wait3A_613 = arith.constant 0 : i32
        %dma_wait3A_614 = arith.constant 0 : i32
        %dma_wait3A_615 = tpu.memref_slice %arg4[%dma_wait3A_613, %select_n3A_595, %add3A, %select_n3A_611, %dma_wait3A_614] : memref<32x25x32x4x256xf32, #tpu.memory_space<hbm>> -> memref<32x1x1x1x256xf32, #tpu.memory_space<hbm>>
        %dma_wait3A_616 = tpu.memref_squeeze %dma_wait3A_615 : memref<32x1x1x1x256xf32, #tpu.memory_space<hbm>> -> memref<32x256xf32, #tpu.memory_space<hbm>>
        %dma_wait3A_617 = tpu.memref_slice %arg15[%dma_wait3A_612] : memref<4x!tpu.dma_semaphore, #tpu.memory_space<semaphore_mem>> -> memref<1x!tpu.dma_semaphore, #tpu.memory_space<semaphore_mem>>
        %dma_wait3A_618 = tpu.memref_squeeze %dma_wait3A_617 : memref<1x!tpu.dma_semaphore, #tpu.memory_space<semaphore_mem>> -> memref<!tpu.dma_semaphore, #tpu.memory_space<semaphore_mem>>
        %dma_wait3A_619 = arith.constant 0 : i32
        %dma_wait3A_620 = arith.constant 0 : i32
        %dma_wait3A_621 = tpu.memref_slice %arg4[%dma_wait3A_619, %select_n3A_595, %add3A, %select_n3A_611, %dma_wait3A_620] : memref<32x25x32x4x256xf32, #tpu.memory_space<hbm>> -> memref<32x1x1x1x256xf32, #tpu.memory_space<hbm>>
        %dma_wait3A_622 = tpu.memref_squeeze %dma_wait3A_621 : memref<32x1x1x1x256xf32, #tpu.memory_space<hbm>> -> memref<32x256xf32, #tpu.memory_space<hbm>>
        tpu.wait_dma2 semaphore(%dma_wait3A_618 : memref<!tpu.dma_semaphore, #tpu.memory_space<semaphore_mem>>) src(%arg12 : memref<32x256xf32, #tpu.memory_space<vmem>>) dst(%dma_wait3A_622 : memref<32x256xf32, #tpu.memory_space<hbm>>)
      } else {
      }
      %broadcast_in_dim3A_402 = arith.constant 0 : i32
      %broadcast_in_dim3A_403 = vector.broadcast %broadcast_in_dim3A_402 : i32 to vector<16xi32>
      %parallel_loop3A_404 = arith.constant 0 : i32
      %parallel_loop3A_405 = arith.constant 256 : i32
      %parallel_loop3A_406 = arith.constant 1 : i32
      %parallel_loop3A_407 = scf.for %parallel_loop3A_572 = %parallel_loop3A_404 to %parallel_loop3A_405 step %parallel_loop3A_406 iter_args(%parallel_loop3A_573 = %broadcast_in_dim3A_403) -> (vector<16xi32>)  : i32 {
        %parallel_loop3A_574 = arith.index_cast %parallel_loop3A_572 : i32 to index
        %parallel_loop3A_575 = arith.constant 0 : index
        %parallel_loop3A_576 = tpu.vector_load %arg8[%parallel_loop3A_574, %parallel_loop3A_575] {strides = array<i32>} : memref<256x32xf32, #tpu.memory_space<vmem>>, vector<16xf32>,
        tpu.vector_store_idx %arg12[%iota3A, %parallel_loop3A_573], %parallel_loop3A_576 : memref<32x256xf32, #tpu.memory_space<vmem>>[vector<16xi32>, vector<16xi32>], vector<16xf32>,
        %parallel_loop3A_577 = arith.index_cast %parallel_loop3A_572 : i32 to index
        %parallel_loop3A_578 = arith.constant 16 : index
        %parallel_loop3A_579 = tpu.vector_load %arg8[%parallel_loop3A_577, %parallel_loop3A_578] {strides = array<i32>} : memref<256x32xf32, #tpu.memory_space<vmem>>, vector<16xf32>,
        tpu.vector_store_idx %arg12[%add3A_3, %parallel_loop3A_573], %parallel_loop3A_579 : memref<32x256xf32, #tpu.memory_space<vmem>>[vector<16xi32>, vector<16xi32>], vector<16xf32>,
        %parallel_loop3A_580 = arith.constant 1 : i32
        %parallel_loop3A_581 = vector.broadcast %parallel_loop3A_580 : i32 to vector<16xi32>
        %parallel_loop3A_582 = arith.addi %parallel_loop3A_573, %parallel_loop3A_581 : vector<16xi32>
        scf.yield %parallel_loop3A_582 : vector<16xi32>
      } {sc.loop_unroll_factor = 8 : i64, sc.parallel_access}
      %jit3A_408 = arith.constant 4 : i32
      %div3A_409 = arith.divsi %add3A_364, %jit3A_408 : i32
      %sign3A_410 = arith.constant 0 : i32
      %sign3A_411 = arith.cmpi sgt, %add3A_364, %sign3A_410 : i32
      %sign3A_412 = arith.extui %sign3A_411 : i1 to i32
      %sign3A_413 = arith.constant 0 : i32
      %sign3A_414 = arith.cmpi slt, %add3A_364, %sign3A_413 : i32
      %sign3A_415 = arith.extui %sign3A_414 : i1 to i32
      %sign3A_416 = arith.subi %sign3A_412, %sign3A_415 : i32
      %sign3A_417 = arith.constant 0 : i32
      %sign3A_418 = arith.cmpi sgt, %jit3A_408, %sign3A_417 : i32
      %sign3A_419 = arith.extui %sign3A_418 : i1 to i32
      %sign3A_420 = arith.constant 0 : i32
      %sign3A_421 = arith.cmpi slt, %jit3A_408, %sign3A_420 : i32
      %sign3A_422 = arith.extui %sign3A_421 : i1 to i32
      %sign3A_423 = arith.subi %sign3A_419, %sign3A_422 : i32
      %ne3A_424 = arith.cmpi ne, %sign3A_416, %sign3A_423 : i32
      %rem3A_425 = arith.remsi %add3A_364, %jit3A_408 : i32
      %ne3A_426 = arith.constant 0 : i32
      %ne3A_427 = arith.cmpi ne, %rem3A_425, %ne3A_426 : i32
      %and3A_428 = arith.andi %ne3A_424, %ne3A_427 : i1
      %sub3A_429 = arith.constant 1 : i32
      %sub3A_430 = arith.subi %div3A_409, %sub3A_429 : i32
      %select_n3A_431 = arith.select %and3A_428, %sub3A_430, %div3A_409 : i32
      %jit3A_432 = arith.constant 4 : i32
      %eq3A_433 = arith.constant 0 : i32
      %eq3A_434 = arith.cmpi eq, %jit3A_432, %eq3A_433 : i32
      %jit3A_435 = arith.constant 1 : i32
      %select_n3A_436 = arith.select %eq3A_434, %jit3A_435, %jit3A_432 : i32
      %rem3A_437 = arith.remsi %add3A_364, %select_n3A_436 : i32
      %ne3A_438 = arith.constant 0 : i32
      %ne3A_439 = arith.cmpi ne, %rem3A_437, %ne3A_438 : i32
      %lt3A_440 = arith.constant 0 : i32
      %lt3A_441 = arith.cmpi slt, %rem3A_437, %lt3A_440 : i32
      %lt3A_442 = arith.constant 0 : i32
      %lt3A_443 = arith.cmpi slt, %select_n3A_436, %lt3A_442 : i32
      %ne3A_444 = arith.xori %lt3A_441, %lt3A_443 : i1
      %and3A_445 = arith.andi %ne3A_444, %ne3A_439 : i1
      %add3A_446 = arith.addi %rem3A_437, %select_n3A_436 : i32
      %select_n3A_447 = arith.select %and3A_445, %add3A_446, %rem3A_437 : i32
      %dma_start3A_448 = arith.constant 2 : i32
      %dma_start3A_449 = arith.constant 0 : i32
      %dma_start3A_450 = arith.constant 0 : i32
      %dma_start3A_451 = tpu.memref_slice %arg4[%dma_start3A_449, %select_n3A_431, %add3A, %select_n3A_447, %dma_start3A_450] : memref<32x25x32x4x256xf32, #tpu.memory_space<hbm>> -> memref<32x1x1x1x256xf32, #tpu.memory_space<hbm>>
      %dma_start3A_452 = tpu.memref_squeeze %dma_start3A_451 : memref<32x1x1x1x256xf32, #tpu.memory_space<hbm>> -> memref<32x256xf32, #tpu.memory_space<hbm>>
      %dma_start3A_453 = tpu.memref_slice %arg15[%dma_start3A_448] : memref<4x!tpu.dma_semaphore, #tpu.memory_space<semaphore_mem>> -> memref<1x!tpu.dma_semaphore, #tpu.memory_space<semaphore_mem>>
      %dma_start3A_454 = tpu.memref_squeeze %dma_start3A_453 : memref<1x!tpu.dma_semaphore, #tpu.memory_space<semaphore_mem>> -> memref<!tpu.dma_semaphore, #tpu.memory_space<semaphore_mem>>
      %dma_start3A_455 = arith.constant 0 : i32
      %dma_start3A_456 = arith.constant 0 : i32
      %dma_start3A_457 = tpu.memref_slice %arg4[%dma_start3A_455, %select_n3A_431, %add3A, %select_n3A_447, %dma_start3A_456] : memref<32x25x32x4x256xf32, #tpu.memory_space<hbm>> -> memref<32x1x1x1x256xf32, #tpu.memory_space<hbm>>
      %dma_start3A_458 = tpu.memref_squeeze %dma_start3A_457 : memref<32x1x1x1x256xf32, #tpu.memory_space<hbm>> -> memref<32x256xf32, #tpu.memory_space<hbm>>
      tpu.enqueue_dma source(%arg12 : memref<32x256xf32, #tpu.memory_space<vmem>>) target(%dma_start3A_458 : memref<32x256xf32, #tpu.memory_space<hbm>>) target_semaphore(%dma_start3A_454 : memref<!tpu.dma_semaphore, #tpu.memory_space<semaphore_mem>>)
      %add3A_459 = arith.constant 4 : i32
      %add3A_460 = arith.addi %add3A_364, %add3A_459 : i32
      %lt3A_461 = arith.constant 100 : i32
      %lt3A_462 = arith.cmpi slt, %add3A_460, %lt3A_461 : i32
      %convert_element_type3A_463 = arith.extui %lt3A_462 : i1 to i32
      %cond3A_464 = arith.constant 0 : i32
      %cond3A_465 = arith.cmpi ne, %convert_element_type3A_463, %cond3A_464 : i32
      scf.if %cond3A_465 {
        %add3A_572 = arith.constant 4 : i32
        %add3A_573 = arith.addi %add3A_364, %add3A_572 : i32
        %mul3A_574 = arith.constant 2 : i32
        %mul3A_575 = arith.muli %add3A_573, %mul3A_574 : i32
        %add3A_576 = arith.constant 0 : i32
        %add3A_577 = arith.addi %mul3A_575, %add3A_576 : i32
        %dma_start3A_578 = arith.constant 2 : i32
        %dma_start3A_579 = arith.constant 0 : i32
        %dma_start3A_580 = arith.constant 0 : i32
        %dma_start3A_581 = tpu.memref_slice %arg8[%dma_start3A_579, %dma_start3A_580] : memref<256x32xf32, #tpu.memory_space<vmem>> -> memref<128x32xf32, #tpu.memory_space<vmem>>
        %dma_start3A_582 = arith.constant 0 : i32
        %dma_start3A_583 = tpu.memref_slice %arg5[%add3A_577, %dma_start3A_582] : memref<200x128xi32, #tpu.memory_space<vmem>> -> memref<1x128xi32, #tpu.memory_space<vmem>>
        %dma_start3A_584 = tpu.memref_squeeze %dma_start3A_583 : memref<1x128xi32, #tpu.memory_space<vmem>> -> memref<128xi32, #tpu.memory_space<vmem>>
        %dma_start3A_585 = arith.constant 0 : i32
        %dma_start3A_586 = arith.constant 0 : i32
        %dma_start3A_587 = tpu.memref_slice %arg3[%dma_start3A_585, %dma_start3A_586] : memref<100000x32xf32, #tpu.memory_space<hbm>> -> memref<100000x32xf32, #tpu.memory_space<hbm>>
        %dma_start3A_588 = tpu.memref_slice %arg14[%dma_start3A_578] : memref<4x!tpu.dma_semaphore, #tpu.memory_space<semaphore_mem>> -> memref<1x!tpu.dma_semaphore, #tpu.memory_space<semaphore_mem>>
        %dma_start3A_589 = tpu.memref_squeeze %dma_start3A_588 : memref<1x!tpu.dma_semaphore, #tpu.memory_space<semaphore_mem>> -> memref<!tpu.dma_semaphore, #tpu.memory_space<semaphore_mem>>
        tpu.enqueue_indirect_dma source(%dma_start3A_587 : memref<100000x32xf32, #tpu.memory_space<hbm>>) target(%dma_start3A_581 : memref<128x32xf32, #tpu.memory_space<vmem>>) offsets(%dma_start3A_584 : memref<128xi32, #tpu.memory_space<vmem>>) semaphore(%dma_start3A_589 : memref<!tpu.dma_semaphore, #tpu.memory_space<semaphore_mem>>)
        %mul3A_590 = arith.constant 2 : i32
        %mul3A_591 = arith.muli %add3A_573, %mul3A_590 : i32
        %add3A_592 = arith.constant 1 : i32
        %add3A_593 = arith.addi %mul3A_591, %add3A_592 : i32
        %dma_start3A_594 = arith.constant 2 : i32
        %dma_start3A_595 = arith.constant 128 : i32
        %dma_start3A_596 = arith.constant 0 : i32
        %dma_start3A_597 = tpu.memref_slice %arg8[%dma_start3A_595, %dma_start3A_596] : memref<256x32xf32, #tpu.memory_space<vmem>> -> memref<128x32xf32, #tpu.memory_space<vmem>>
        %dma_start3A_598 = arith.constant 0 : i32
        %dma_start3A_599 = tpu.memref_slice %arg5[%add3A_593, %dma_start3A_598] : memref<200x128xi32, #tpu.memory_space<vmem>> -> memref<1x128xi32, #tpu.memory_space<vmem>>
        %dma_start3A_600 = tpu.memref_squeeze %dma_start3A_599 : memref<1x128xi32, #tpu.memory_space<vmem>> -> memref<128xi32, #tpu.memory_space<vmem>>
        %dma_start3A_601 = arith.constant 0 : i32
        %dma_start3A_602 = arith.constant 0 : i32
        %dma_start3A_603 = tpu.memref_slice %arg3[%dma_start3A_601, %dma_start3A_602] : memref<100000x32xf32, #tpu.memory_space<hbm>> -> memref<100000x32xf32, #tpu.memory_space<hbm>>
        %dma_start3A_604 = tpu.memref_slice %arg14[%dma_start3A_594] : memref<4x!tpu.dma_semaphore, #tpu.memory_space<semaphore_mem>> -> memref<1x!tpu.dma_semaphore, #tpu.memory_space<semaphore_mem>>
        %dma_start3A_605 = tpu.memref_squeeze %dma_start3A_604 : memref<1x!tpu.dma_semaphore, #tpu.memory_space<semaphore_mem>> -> memref<!tpu.dma_semaphore, #tpu.memory_space<semaphore_mem>>
        tpu.enqueue_indirect_dma source(%dma_start3A_603 : memref<100000x32xf32, #tpu.memory_space<hbm>>) target(%dma_start3A_597 : memref<128x32xf32, #tpu.memory_space<vmem>>) offsets(%dma_start3A_600 : memref<128xi32, #tpu.memory_space<vmem>>) semaphore(%dma_start3A_605 : memref<!tpu.dma_semaphore, #tpu.memory_space<semaphore_mem>>)
      } else {
      }
      %mul3A_466 = arith.constant 4 : i32
      %mul3A_467 = arith.muli %scan3A_164, %mul3A_466 : i32
      %add3A_468 = arith.constant 3 : i32
      %add3A_469 = arith.addi %mul3A_467, %add3A_468 : i32
      %mul3A_470 = arith.constant 2 : i32
      %mul3A_471 = arith.muli %add3A_469, %mul3A_470 : i32
      %add3A_472 = arith.constant 0 : i32
      %add3A_473 = arith.addi %mul3A_471, %add3A_472 : i32
      %dma_wait3A_474 = arith.constant 3 : i32
      %dma_wait3A_475 = arith.constant 0 : i32
      %dma_wait3A_476 = arith.constant 0 : i32
      %dma_wait3A_477 = tpu.memref_slice %arg9[%dma_wait3A_475, %dma_wait3A_476] : memref<256x32xf32, #tpu.memory_space<vmem>> -> memref<128x32xf32, #tpu.memory_space<vmem>>
      %dma_wait3A_478 = arith.constant 0 : i32
      %dma_wait3A_479 = tpu.memref_slice %arg5[%add3A_473, %dma_wait3A_478] : memref<200x128xi32, #tpu.memory_space<vmem>> -> memref<1x128xi32, #tpu.memory_space<vmem>>
      %dma_wait3A_480 = tpu.memref_squeeze %dma_wait3A_479 : memref<1x128xi32, #tpu.memory_space<vmem>> -> memref<128xi32, #tpu.memory_space<vmem>>
      %dma_wait3A_481 = arith.constant 0 : i32
      %dma_wait3A_482 = arith.constant 0 : i32
      %dma_wait3A_483 = tpu.memref_slice %arg3[%dma_wait3A_481, %dma_wait3A_482] : memref<100000x32xf32, #tpu.memory_space<hbm>> -> memref<100000x32xf32, #tpu.memory_space<hbm>>
      %dma_wait3A_484 = tpu.memref_slice %arg14[%dma_wait3A_474] : memref<4x!tpu.dma_semaphore, #tpu.memory_space<semaphore_mem>> -> memref<1x!tpu.dma_semaphore, #tpu.memory_space<semaphore_mem>>
      %dma_wait3A_485 = tpu.memref_squeeze %dma_wait3A_484 : memref<1x!tpu.dma_semaphore, #tpu.memory_space<semaphore_mem>> -> memref<!tpu.dma_semaphore, #tpu.memory_space<semaphore_mem>>
      tpu.wait_indirect_dma semaphore(%dma_wait3A_485 : memref<!tpu.dma_semaphore, #tpu.memory_space<semaphore_mem>>) src(%dma_wait3A_483 : memref<100000x32xf32, #tpu.memory_space<hbm>>) dst(%dma_wait3A_477 : memref<128x32xf32, #tpu.memory_space<vmem>>)
      %mul3A_486 = arith.constant 2 : i32
      %mul3A_487 = arith.muli %add3A_469, %mul3A_486 : i32
      %add3A_488 = arith.constant 1 : i32
      %add3A_489 = arith.addi %mul3A_487, %add3A_488 : i32
      %dma_wait3A_490 = arith.constant 3 : i32
      %dma_wait3A_491 = arith.constant 128 : i32
      %dma_wait3A_492 = arith.constant 0 : i32
      %dma_wait3A_493 = tpu.memref_slice %arg9[%dma_wait3A_491, %dma_wait3A_492] : memref<256x32xf32, #tpu.memory_space<vmem>> -> memref<128x32xf32, #tpu.memory_space<vmem>>
      %dma_wait3A_494 = arith.constant 0 : i32
      %dma_wait3A_495 = tpu.memref_slice %arg5[%add3A_489, %dma_wait3A_494] : memref<200x128xi32, #tpu.memory_space<vmem>> -> memref<1x128xi32, #tpu.memory_space<vmem>>
      %dma_wait3A_496 = tpu.memref_squeeze %dma_wait3A_495 : memref<1x128xi32, #tpu.memory_space<vmem>> -> memref<128xi32, #tpu.memory_space<vmem>>
      %dma_wait3A_497 = arith.constant 0 : i32
      %dma_wait3A_498 = arith.constant 0 : i32
      %dma_wait3A_499 = tpu.memref_slice %arg3[%dma_wait3A_497, %dma_wait3A_498] : memref<100000x32xf32, #tpu.memory_space<hbm>> -> memref<100000x32xf32, #tpu.memory_space<hbm>>
      %dma_wait3A_500 = tpu.memref_slice %arg14[%dma_wait3A_490] : memref<4x!tpu.dma_semaphore, #tpu.memory_space<semaphore_mem>> -> memref<1x!tpu.dma_semaphore, #tpu.memory_space<semaphore_mem>>
      %dma_wait3A_501 = tpu.memref_squeeze %dma_wait3A_500 : memref<1x!tpu.dma_semaphore, #tpu.memory_space<semaphore_mem>> -> memref<!tpu.dma_semaphore, #tpu.memory_space<semaphore_mem>>
      tpu.wait_indirect_dma semaphore(%dma_wait3A_501 : memref<!tpu.dma_semaphore, #tpu.memory_space<semaphore_mem>>) src(%dma_wait3A_499 : memref<100000x32xf32, #tpu.memory_space<hbm>>) dst(%dma_wait3A_493 : memref<128x32xf32, #tpu.memory_space<vmem>>)
      %gt3A_502 = arith.constant 0 : i32
      %gt3A_503 = arith.cmpi sgt, %scan3A_164, %gt3A_502 : i32
      %convert_element_type3A_504 = arith.extui %gt3A_503 : i1 to i32
      %cond3A_505 = arith.constant 0 : i32
      %cond3A_506 = arith.cmpi ne, %convert_element_type3A_504, %cond3A_505 : i32
      scf.if %cond3A_506 {
        %jit3A_572 = arith.constant 4 : i32
        %div3A_573 = arith.divsi %add3A_469, %jit3A_572 : i32
        %sign3A_574 = arith.constant 0 : i32
        %sign3A_575 = arith.cmpi sgt, %add3A_469, %sign3A_574 : i32
        %sign3A_576 = arith.extui %sign3A_575 : i1 to i32
        %sign3A_577 = arith.constant 0 : i32
        %sign3A_578 = arith.cmpi slt, %add3A_469, %sign3A_577 : i32
        %sign3A_579 = arith.extui %sign3A_578 : i1 to i32
        %sign3A_580 = arith.subi %sign3A_576, %sign3A_579 : i32
        %sign3A_581 = arith.constant 0 : i32
        %sign3A_582 = arith.cmpi sgt, %jit3A_572, %sign3A_581 : i32
        %sign3A_583 = arith.extui %sign3A_582 : i1 to i32
        %sign3A_584 = arith.constant 0 : i32
        %sign3A_585 = arith.cmpi slt, %jit3A_572, %sign3A_584 : i32
        %sign3A_586 = arith.extui %sign3A_585 : i1 to i32
        %sign3A_587 = arith.subi %sign3A_583, %sign3A_586 : i32
        %ne3A_588 = arith.cmpi ne, %sign3A_580, %sign3A_587 : i32
        %rem3A_589 = arith.remsi %add3A_469, %jit3A_572 : i32
        %ne3A_590 = arith.constant 0 : i32
        %ne3A_591 = arith.cmpi ne, %rem3A_589, %ne3A_590 : i32
        %and3A_592 = arith.andi %ne3A_588, %ne3A_591 : i1
        %sub3A_593 = arith.constant 1 : i32
        %sub3A_594 = arith.subi %div3A_573, %sub3A_593 : i32
        %select_n3A_595 = arith.select %and3A_592, %sub3A_594, %div3A_573 : i32
        %jit3A_596 = arith.constant 4 : i32
        %eq3A_597 = arith.constant 0 : i32
        %eq3A_598 = arith.cmpi eq, %jit3A_596, %eq3A_597 : i32
        %jit3A_599 = arith.constant 1 : i32
        %select_n3A_600 = arith.select %eq3A_598, %jit3A_599, %jit3A_596 : i32
        %rem3A_601 = arith.remsi %add3A_469, %select_n3A_600 : i32
        %ne3A_602 = arith.constant 0 : i32
        %ne3A_603 = arith.cmpi ne, %rem3A_601, %ne3A_602 : i32
        %lt3A_604 = arith.constant 0 : i32
        %lt3A_605 = arith.cmpi slt, %rem3A_601, %lt3A_604 : i32
        %lt3A_606 = arith.constant 0 : i32
        %lt3A_607 = arith.cmpi slt, %select_n3A_600, %lt3A_606 : i32
        %ne3A_608 = arith.xori %lt3A_605, %lt3A_607 : i1
        %and3A_609 = arith.andi %ne3A_608, %ne3A_603 : i1
        %add3A_610 = arith.addi %rem3A_601, %select_n3A_600 : i32
        %select_n3A_611 = arith.select %and3A_609, %add3A_610, %rem3A_601 : i32
        %dma_wait3A_612 = arith.constant 3 : i32
        %dma_wait3A_613 = arith.constant 0 : i32
        %dma_wait3A_614 = arith.constant 0 : i32
        %dma_wait3A_615 = tpu.memref_slice %arg4[%dma_wait3A_613, %select_n3A_595, %add3A, %select_n3A_611, %dma_wait3A_614] : memref<32x25x32x4x256xf32, #tpu.memory_space<hbm>> -> memref<32x1x1x1x256xf32, #tpu.memory_space<hbm>>
        %dma_wait3A_616 = tpu.memref_squeeze %dma_wait3A_615 : memref<32x1x1x1x256xf32, #tpu.memory_space<hbm>> -> memref<32x256xf32, #tpu.memory_space<hbm>>
        %dma_wait3A_617 = tpu.memref_slice %arg15[%dma_wait3A_612] : memref<4x!tpu.dma_semaphore, #tpu.memory_space<semaphore_mem>> -> memref<1x!tpu.dma_semaphore, #tpu.memory_space<semaphore_mem>>
        %dma_wait3A_618 = tpu.memref_squeeze %dma_wait3A_617 : memref<1x!tpu.dma_semaphore, #tpu.memory_space<semaphore_mem>> -> memref<!tpu.dma_semaphore, #tpu.memory_space<semaphore_mem>>
        %dma_wait3A_619 = arith.constant 0 : i32
        %dma_wait3A_620 = arith.constant 0 : i32
        %dma_wait3A_621 = tpu.memref_slice %arg4[%dma_wait3A_619, %select_n3A_595, %add3A, %select_n3A_611, %dma_wait3A_620] : memref<32x25x32x4x256xf32, #tpu.memory_space<hbm>> -> memref<32x1x1x1x256xf32, #tpu.memory_space<hbm>>
        %dma_wait3A_622 = tpu.memref_squeeze %dma_wait3A_621 : memref<32x1x1x1x256xf32, #tpu.memory_space<hbm>> -> memref<32x256xf32, #tpu.memory_space<hbm>>
        tpu.wait_dma2 semaphore(%dma_wait3A_618 : memref<!tpu.dma_semaphore, #tpu.memory_space<semaphore_mem>>) src(%arg13 : memref<32x256xf32, #tpu.memory_space<vmem>>) dst(%dma_wait3A_622 : memref<32x256xf32, #tpu.memory_space<hbm>>)
      } else {
      }
      %broadcast_in_dim3A_507 = arith.constant 0 : i32
      %broadcast_in_dim3A_508 = vector.broadcast %broadcast_in_dim3A_507 : i32 to vector<16xi32>
      %parallel_loop3A_509 = arith.constant 0 : i32
      %parallel_loop3A_510 = arith.constant 256 : i32
      %parallel_loop3A_511 = arith.constant 1 : i32
      %parallel_loop3A_512 = scf.for %parallel_loop3A_572 = %parallel_loop3A_509 to %parallel_loop3A_510 step %parallel_loop3A_511 iter_args(%parallel_loop3A_573 = %broadcast_in_dim3A_508) -> (vector<16xi32>)  : i32 {
        %parallel_loop3A_574 = arith.index_cast %parallel_loop3A_572 : i32 to index
        %parallel_loop3A_575 = arith.constant 0 : index
        %parallel_loop3A_576 = tpu.vector_load %arg9[%parallel_loop3A_574, %parallel_loop3A_575] {strides = array<i32>} : memref<256x32xf32, #tpu.memory_space<vmem>>, vector<16xf32>,
        tpu.vector_store_idx %arg13[%iota3A, %parallel_loop3A_573], %parallel_loop3A_576 : memref<32x256xf32, #tpu.memory_space<vmem>>[vector<16xi32>, vector<16xi32>], vector<16xf32>,
        %parallel_loop3A_577 = arith.index_cast %parallel_loop3A_572 : i32 to index
        %parallel_loop3A_578 = arith.constant 16 : index
        %parallel_loop3A_579 = tpu.vector_load %arg9[%parallel_loop3A_577, %parallel_loop3A_578] {strides = array<i32>} : memref<256x32xf32, #tpu.memory_space<vmem>>, vector<16xf32>,
        tpu.vector_store_idx %arg13[%add3A_3, %parallel_loop3A_573], %parallel_loop3A_579 : memref<32x256xf32, #tpu.memory_space<vmem>>[vector<16xi32>, vector<16xi32>], vector<16xf32>,
        %parallel_loop3A_580 = arith.constant 1 : i32
        %parallel_loop3A_581 = vector.broadcast %parallel_loop3A_580 : i32 to vector<16xi32>
        %parallel_loop3A_582 = arith.addi %parallel_loop3A_573, %parallel_loop3A_581 : vector<16xi32>
        scf.yield %parallel_loop3A_582 : vector<16xi32>
      } {sc.loop_unroll_factor = 8 : i64, sc.parallel_access}
      %jit3A_513 = arith.constant 4 : i32
      %div3A_514 = arith.divsi %add3A_469, %jit3A_513 : i32
      %sign3A_515 = arith.constant 0 : i32
      %sign3A_516 = arith.cmpi sgt, %add3A_469, %sign3A_515 : i32
      %sign3A_517 = arith.extui %sign3A_516 : i1 to i32
      %sign3A_518 = arith.constant 0 : i32
      %sign3A_519 = arith.cmpi slt, %add3A_469, %sign3A_518 : i32
      %sign3A_520 = arith.extui %sign3A_519 : i1 to i32
      %sign3A_521 = arith.subi %sign3A_517, %sign3A_520 : i32
      %sign3A_522 = arith.constant 0 : i32
      %sign3A_523 = arith.cmpi sgt, %jit3A_513, %sign3A_522 : i32
      %sign3A_524 = arith.extui %sign3A_523 : i1 to i32
      %sign3A_525 = arith.constant 0 : i32
      %sign3A_526 = arith.cmpi slt, %jit3A_513, %sign3A_525 : i32
      %sign3A_527 = arith.extui %sign3A_526 : i1 to i32
      %sign3A_528 = arith.subi %sign3A_524, %sign3A_527 : i32
      %ne3A_529 = arith.cmpi ne, %sign3A_521, %sign3A_528 : i32
      %rem3A_530 = arith.remsi %add3A_469, %jit3A_513 : i32
      %ne3A_531 = arith.constant 0 : i32
      %ne3A_532 = arith.cmpi ne, %rem3A_530, %ne3A_531 : i32
      %and3A_533 = arith.andi %ne3A_529, %ne3A_532 : i1
      %sub3A_534 = arith.constant 1 : i32
      %sub3A_535 = arith.subi %div3A_514, %sub3A_534 : i32
      %select_n3A_536 = arith.select %and3A_533, %sub3A_535, %div3A_514 : i32
      %jit3A_537 = arith.constant 4 : i32
      %eq3A_538 = arith.constant 0 : i32
      %eq3A_539 = arith.cmpi eq, %jit3A_537, %eq3A_538 : i32
      %jit3A_540 = arith.constant 1 : i32
      %select_n3A_541 = arith.select %eq3A_539, %jit3A_540, %jit3A_537 : i32
      %rem3A_542 = arith.remsi %add3A_469, %select_n3A_541 : i32
      %ne3A_543 = arith.constant 0 : i32
      %ne3A_544 = arith.cmpi ne, %rem3A_542, %ne3A_543 : i32
      %lt3A_545 = arith.constant 0 : i32
      %lt3A_546 = arith.cmpi slt, %rem3A_542, %lt3A_545 : i32
      %lt3A_547 = arith.constant 0 : i32
      %lt3A_548 = arith.cmpi slt, %select_n3A_541, %lt3A_547 : i32
      %ne3A_549 = arith.xori %lt3A_546, %lt3A_548 : i1
      %and3A_550 = arith.andi %ne3A_549, %ne3A_544 : i1
      %add3A_551 = arith.addi %rem3A_542, %select_n3A_541 : i32
      %select_n3A_552 = arith.select %and3A_550, %add3A_551, %rem3A_542 : i32
      %dma_start3A_553 = arith.constant 3 : i32
      %dma_start3A_554 = arith.constant 0 : i32
      %dma_start3A_555 = arith.constant 0 : i32
      %dma_start3A_556 = tpu.memref_slice %arg4[%dma_start3A_554, %select_n3A_536, %add3A, %select_n3A_552, %dma_start3A_555] : memref<32x25x32x4x256xf32, #tpu.memory_space<hbm>> -> memref<32x1x1x1x256xf32, #tpu.memory_space<hbm>>
      %dma_start3A_557 = tpu.memref_squeeze %dma_start3A_556 : memref<32x1x1x1x256xf32, #tpu.memory_space<hbm>> -> memref<32x256xf32, #tpu.memory_space<hbm>>
      %dma_start3A_558 = tpu.memref_slice %arg15[%dma_start3A_553] : memref<4x!tpu.dma_semaphore, #tpu.memory_space<semaphore_mem>> -> memref<1x!tpu.dma_semaphore, #tpu.memory_space<semaphore_mem>>
      %dma_start3A_559 = tpu.memref_squeeze %dma_start3A_558 : memref<1x!tpu.dma_semaphore, #tpu.memory_space<semaphore_mem>> -> memref<!tpu.dma_semaphore, #tpu.memory_space<semaphore_mem>>
      %dma_start3A_560 = arith.constant 0 : i32
      %dma_start3A_561 = arith.constant 0 : i32
      %dma_start3A_562 = tpu.memref_slice %arg4[%dma_start3A_560, %select_n3A_536, %add3A, %select_n3A_552, %dma_start3A_561] : memref<32x25x32x4x256xf32, #tpu.memory_space<hbm>> -> memref<32x1x1x1x256xf32, #tpu.memory_space<hbm>>
      %dma_start3A_563 = tpu.memref_squeeze %dma_start3A_562 : memref<32x1x1x1x256xf32, #tpu.memory_space<hbm>> -> memref<32x256xf32, #tpu.memory_space<hbm>>
      tpu.enqueue_dma source(%arg13 : memref<32x256xf32, #tpu.memory_space<vmem>>) target(%dma_start3A_563 : memref<32x256xf32, #tpu.memory_space<hbm>>) target_semaphore(%dma_start3A_559 : memref<!tpu.dma_semaphore, #tpu.memory_space<semaphore_mem>>)
      %add3A_564 = arith.constant 4 : i32
      %add3A_565 = arith.addi %add3A_469, %add3A_564 : i32
      %lt3A_566 = arith.constant 100 : i32
      %lt3A_567 = arith.cmpi slt, %add3A_565, %lt3A_566 : i32
      %convert_element_type3A_568 = arith.extui %lt3A_567 : i1 to i32
      %cond3A_569 = arith.constant 0 : i32
      %cond3A_570 = arith.cmpi ne, %convert_element_type3A_568, %cond3A_569 : i32
      scf.if %cond3A_570 {
        %add3A_572 = arith.constant 4 : i32
        %add3A_573 = arith.addi %add3A_469, %add3A_572 : i32
        %mul3A_574 = arith.constant 2 : i32
        %mul3A_575 = arith.muli %add3A_573, %mul3A_574 : i32
        %add3A_576 = arith.constant 0 : i32
        %add3A_577 = arith.addi %mul3A_575, %add3A_576 : i32
        %dma_start3A_578 = arith.constant 3 : i32
        %dma_start3A_579 = arith.constant 0 : i32
        %dma_start3A_580 = arith.constant 0 : i32
        %dma_start3A_581 = tpu.memref_slice %arg9[%dma_start3A_579, %dma_start3A_580] : memref<256x32xf32, #tpu.memory_space<vmem>> -> memref<128x32xf32, #tpu.memory_space<vmem>>
        %dma_start3A_582 = arith.constant 0 : i32
        %dma_start3A_583 = tpu.memref_slice %arg5[%add3A_577, %dma_start3A_582] : memref<200x128xi32, #tpu.memory_space<vmem>> -> memref<1x128xi32, #tpu.memory_space<vmem>>
        %dma_start3A_584 = tpu.memref_squeeze %dma_start3A_583 : memref<1x128xi32, #tpu.memory_space<vmem>> -> memref<128xi32, #tpu.memory_space<vmem>>
        %dma_start3A_585 = arith.constant 0 : i32
        %dma_start3A_586 = arith.constant 0 : i32
        %dma_start3A_587 = tpu.memref_slice %arg3[%dma_start3A_585, %dma_start3A_586] : memref<100000x32xf32, #tpu.memory_space<hbm>> -> memref<100000x32xf32, #tpu.memory_space<hbm>>
        %dma_start3A_588 = tpu.memref_slice %arg14[%dma_start3A_578] : memref<4x!tpu.dma_semaphore, #tpu.memory_space<semaphore_mem>> -> memref<1x!tpu.dma_semaphore, #tpu.memory_space<semaphore_mem>>
        %dma_start3A_589 = tpu.memref_squeeze %dma_start3A_588 : memref<1x!tpu.dma_semaphore, #tpu.memory_space<semaphore_mem>> -> memref<!tpu.dma_semaphore, #tpu.memory_space<semaphore_mem>>
        tpu.enqueue_indirect_dma source(%dma_start3A_587 : memref<100000x32xf32, #tpu.memory_space<hbm>>) target(%dma_start3A_581 : memref<128x32xf32, #tpu.memory_space<vmem>>) offsets(%dma_start3A_584 : memref<128xi32, #tpu.memory_space<vmem>>) semaphore(%dma_start3A_589 : memref<!tpu.dma_semaphore, #tpu.memory_space<semaphore_mem>>)
        %mul3A_590 = arith.constant 2 : i32
        %mul3A_591 = arith.muli %add3A_573, %mul3A_590 : i32
        %add3A_592 = arith.constant 1 : i32
        %add3A_593 = arith.addi %mul3A_591, %add3A_592 : i32
        %dma_start3A_594 = arith.constant 3 : i32
        %dma_start3A_595 = arith.constant 128 : i32
        %dma_start3A_596 = arith.constant 0 : i32
        %dma_start3A_597 = tpu.memref_slice %arg9[%dma_start3A_595, %dma_start3A_596] : memref<256x32xf32, #tpu.memory_space<vmem>> -> memref<128x32xf32, #tpu.memory_space<vmem>>
        %dma_start3A_598 = arith.constant 0 : i32
        %dma_start3A_599 = tpu.memref_slice %arg5[%add3A_593, %dma_start3A_598] : memref<200x128xi32, #tpu.memory_space<vmem>> -> memref<1x128xi32, #tpu.memory_space<vmem>>
        %dma_start3A_600 = tpu.memref_squeeze %dma_start3A_599 : memref<1x128xi32, #tpu.memory_space<vmem>> -> memref<128xi32, #tpu.memory_space<vmem>>
        %dma_start3A_601 = arith.constant 0 : i32
        %dma_start3A_602 = arith.constant 0 : i32
        %dma_start3A_603 = tpu.memref_slice %arg3[%dma_start3A_601, %dma_start3A_602] : memref<100000x32xf32, #tpu.memory_space<hbm>> -> memref<100000x32xf32, #tpu.memory_space<hbm>>
        %dma_start3A_604 = tpu.memref_slice %arg14[%dma_start3A_594] : memref<4x!tpu.dma_semaphore, #tpu.memory_space<semaphore_mem>> -> memref<1x!tpu.dma_semaphore, #tpu.memory_space<semaphore_mem>>
        %dma_start3A_605 = tpu.memref_squeeze %dma_start3A_604 : memref<1x!tpu.dma_semaphore, #tpu.memory_space<semaphore_mem>> -> memref<!tpu.dma_semaphore, #tpu.memory_space<semaphore_mem>>
        tpu.enqueue_indirect_dma source(%dma_start3A_603 : memref<100000x32xf32, #tpu.memory_space<hbm>>) target(%dma_start3A_597 : memref<128x32xf32, #tpu.memory_space<vmem>>) offsets(%dma_start3A_600 : memref<128xi32, #tpu.memory_space<vmem>>) semaphore(%dma_start3A_605 : memref<!tpu.dma_semaphore, #tpu.memory_space<semaphore_mem>>)
      } else {
      }
      %scan3A_571 = arith.constant 0 : i32
      scf.yield %scan3A_571 : i32
    }
    %scan3A_112 = arith.constant 25 : i32
    %dma_wait3A = arith.constant 0 : i32
    %dma_wait3A_113 = arith.constant 0 : i32
    %dma_wait3A_114 = arith.constant 0 : i32
    %dma_wait3A_115 = arith.constant 0 : i32
    %dma_wait3A_116 = arith.constant 0 : i32
    %dma_wait3A_117 = tpu.memref_slice %arg4[%dma_wait3A_115, %dma_wait3A, %add3A, %dma_wait3A_113, %dma_wait3A_116] : memref<32x25x32x4x256xf32, #tpu.memory_space<hbm>> -> memref<32x1x1x1x256xf32, #tpu.memory_space<hbm>>
    %dma_wait3A_118 = tpu.memref_squeeze %dma_wait3A_117 : memref<32x1x1x1x256xf32, #tpu.memory_space<hbm>> -> memref<32x256xf32, #tpu.memory_space<hbm>>
    %dma_wait3A_119 = tpu.memref_slice %arg15[%dma_wait3A_114] : memref<4x!tpu.dma_semaphore, #tpu.memory_space<semaphore_mem>> -> memref<1x!tpu.dma_semaphore, #tpu.memory_space<semaphore_mem>>
    %dma_wait3A_120 = tpu.memref_squeeze %dma_wait3A_119 : memref<1x!tpu.dma_semaphore, #tpu.memory_space<semaphore_mem>> -> memref<!tpu.dma_semaphore, #tpu.memory_space<semaphore_mem>>
    %dma_wait3A_121 = arith.constant 0 : i32
    %dma_wait3A_122 = arith.constant 0 : i32
    %dma_wait3A_123 = tpu.memref_slice %arg4[%dma_wait3A_121, %dma_wait3A, %add3A, %dma_wait3A_113, %dma_wait3A_122] : memref<32x25x32x4x256xf32, #tpu.memory_space<hbm>> -> memref<32x1x1x1x256xf32, #tpu.memory_space<hbm>>
    %dma_wait3A_124 = tpu.memref_squeeze %dma_wait3A_123 : memref<32x1x1x1x256xf32, #tpu.memory_space<hbm>> -> memref<32x256xf32, #tpu.memory_space<hbm>>
    tpu.wait_dma2 semaphore(%dma_wait3A_120 : memref<!tpu.dma_semaphore, #tpu.memory_space<semaphore_mem>>) src(%arg10 : memref<32x256xf32, #tpu.memory_space<vmem>>) dst(%dma_wait3A_124 : memref<32x256xf32, #tpu.memory_space<hbm>>)
    %dma_wait3A_125 = arith.constant 0 : i32
    %dma_wait3A_126 = arith.constant 0 : i32
    %dma_wait3A_127 = arith.constant 1 : i32
    %dma_wait3A_128 = arith.constant 0 : i32
    %dma_wait3A_129 = arith.constant 0 : i32
    %dma_wait3A_130 = tpu.memref_slice %arg4[%dma_wait3A_128, %dma_wait3A_125, %add3A, %dma_wait3A_126, %dma_wait3A_129] : memref<32x25x32x4x256xf32, #tpu.memory_space<hbm>> -> memref<32x1x1x1x256xf32, #tpu.memory_space<hbm>>
    %dma_wait3A_131 = tpu.memref_squeeze %dma_wait3A_130 : memref<32x1x1x1x256xf32, #tpu.memory_space<hbm>> -> memref<32x256xf32, #tpu.memory_space<hbm>>
    %dma_wait3A_132 = tpu.memref_slice %arg15[%dma_wait3A_127] : memref<4x!tpu.dma_semaphore, #tpu.memory_space<semaphore_mem>> -> memref<1x!tpu.dma_semaphore, #tpu.memory_space<semaphore_mem>>
    %dma_wait3A_133 = tpu.memref_squeeze %dma_wait3A_132 : memref<1x!tpu.dma_semaphore, #tpu.memory_space<semaphore_mem>> -> memref<!tpu.dma_semaphore, #tpu.memory_space<semaphore_mem>>
    %dma_wait3A_134 = arith.constant 0 : i32
    %dma_wait3A_135 = arith.constant 0 : i32
    %dma_wait3A_136 = tpu.memref_slice %arg4[%dma_wait3A_134, %dma_wait3A_125, %add3A, %dma_wait3A_126, %dma_wait3A_135] : memref<32x25x32x4x256xf32, #tpu.memory_space<hbm>> -> memref<32x1x1x1x256xf32, #tpu.memory_space<hbm>>
    %dma_wait3A_137 = tpu.memref_squeeze %dma_wait3A_136 : memref<32x1x1x1x256xf32, #tpu.memory_space<hbm>> -> memref<32x256xf32, #tpu.memory_space<hbm>>
    tpu.wait_dma2 semaphore(%dma_wait3A_133 : memref<!tpu.dma_semaphore, #tpu.memory_space<semaphore_mem>>) src(%arg11 : memref<32x256xf32, #tpu.memory_space<vmem>>) dst(%dma_wait3A_137 : memref<32x256xf32, #tpu.memory_space<hbm>>)
    %dma_wait3A_138 = arith.constant 0 : i32
    %dma_wait3A_139 = arith.constant 0 : i32
    %dma_wait3A_140 = arith.constant 2 : i32
    %dma_wait3A_141 = arith.constant 0 : i32
    %dma_wait3A_142 = arith.constant 0 : i32
    %dma_wait3A_143 = tpu.memref_slice %arg4[%dma_wait3A_141, %dma_wait3A_138, %add3A, %dma_wait3A_139, %dma_wait3A_142] : memref<32x25x32x4x256xf32, #tpu.memory_space<hbm>> -> memref<32x1x1x1x256xf32, #tpu.memory_space<hbm>>
    %dma_wait3A_144 = tpu.memref_squeeze %dma_wait3A_143 : memref<32x1x1x1x256xf32, #tpu.memory_space<hbm>> -> memref<32x256xf32, #tpu.memory_space<hbm>>
    %dma_wait3A_145 = tpu.memref_slice %arg15[%dma_wait3A_140] : memref<4x!tpu.dma_semaphore, #tpu.memory_space<semaphore_mem>> -> memref<1x!tpu.dma_semaphore, #tpu.memory_space<semaphore_mem>>
    %dma_wait3A_146 = tpu.memref_squeeze %dma_wait3A_145 : memref<1x!tpu.dma_semaphore, #tpu.memory_space<semaphore_mem>> -> memref<!tpu.dma_semaphore, #tpu.memory_space<semaphore_mem>>
    %dma_wait3A_147 = arith.constant 0 : i32
    %dma_wait3A_148 = arith.constant 0 : i32
    %dma_wait3A_149 = tpu.memref_slice %arg4[%dma_wait3A_147, %dma_wait3A_138, %add3A, %dma_wait3A_139, %dma_wait3A_148] : memref<32x25x32x4x256xf32, #tpu.memory_space<hbm>> -> memref<32x1x1x1x256xf32, #tpu.memory_space<hbm>>
    %dma_wait3A_150 = tpu.memref_squeeze %dma_wait3A_149 : memref<32x1x1x1x256xf32, #tpu.memory_space<hbm>> -> memref<32x256xf32, #tpu.memory_space<hbm>>
    tpu.wait_dma2 semaphore(%dma_wait3A_146 : memref<!tpu.dma_semaphore, #tpu.memory_space<semaphore_mem>>) src(%arg12 : memref<32x256xf32, #tpu.memory_space<vmem>>) dst(%dma_wait3A_150 : memref<32x256xf32, #tpu.memory_space<hbm>>)
    %dma_wait3A_151 = arith.constant 0 : i32
    %dma_wait3A_152 = arith.constant 0 : i32
    %dma_wait3A_153 = arith.constant 3 : i32
    %dma_wait3A_154 = arith.constant 0 : i32
    %dma_wait3A_155 = arith.constant 0 : i32
    %dma_wait3A_156 = tpu.memref_slice %arg4[%dma_wait3A_154, %dma_wait3A_151, %add3A, %dma_wait3A_152, %dma_wait3A_155] : memref<32x25x32x4x256xf32, #tpu.memory_space<hbm>> -> memref<32x1x1x1x256xf32, #tpu.memory_space<hbm>>
    %dma_wait3A_157 = tpu.memref_squeeze %dma_wait3A_156 : memref<32x1x1x1x256xf32, #tpu.memory_space<hbm>> -> memref<32x256xf32, #tpu.memory_space<hbm>>
    %dma_wait3A_158 = tpu.memref_slice %arg15[%dma_wait3A_153] : memref<4x!tpu.dma_semaphore, #tpu.memory_space<semaphore_mem>> -> memref<1x!tpu.dma_semaphore, #tpu.memory_space<semaphore_mem>>
    %dma_wait3A_159 = tpu.memref_squeeze %dma_wait3A_158 : memref<1x!tpu.dma_semaphore, #tpu.memory_space<semaphore_mem>> -> memref<!tpu.dma_semaphore, #tpu.memory_space<semaphore_mem>>
    %dma_wait3A_160 = arith.constant 0 : i32
    %dma_wait3A_161 = arith.constant 0 : i32
    %dma_wait3A_162 = tpu.memref_slice %arg4[%dma_wait3A_160, %dma_wait3A_151, %add3A, %dma_wait3A_152, %dma_wait3A_161] : memref<32x25x32x4x256xf32, #tpu.memory_space<hbm>> -> memref<32x1x1x1x256xf32, #tpu.memory_space<hbm>>
    %dma_wait3A_163 = tpu.memref_squeeze %dma_wait3A_162 : memref<32x1x1x1x256xf32, #tpu.memory_space<hbm>> -> memref<32x256xf32, #tpu.memory_space<hbm>>
    tpu.wait_dma2 semaphore(%dma_wait3A_159 : memref<!tpu.dma_semaphore, #tpu.memory_space<semaphore_mem>>) src(%arg13 : memref<32x256xf32, #tpu.memory_space<vmem>>) dst(%dma_wait3A_163 : memref<32x256xf32, #tpu.memory_space<hbm>>)
    return
  }
}

</mosaic_0001>

<sc_bundles>
// kernel: kernel.3.cloned.1.call-start
scs
__scs_entry_jumppad:
0x0: {  	(pc) =	sbr.rel $0x88, $3  }
0x1: {  	(tag) =	ssettag $0x0;
	lr =	simm.s32 $0x1  }
0x2: {  	[smem:$0x3F9F] =	sst lr;
	_ =	strace $0xD0000000  }
0x3: {  	_ = 	snop  }
0x4: {  	_ = 	snop  }
0x5: {  	_ = 	snop  }
0x6: {  	_ = 	snop  }
0x7: {  	_ = 	snop  }
__scs_overlays_trampoline_lowered:
0x8: {  	[smem:$0x3FAE] =	sst s0  }
0x9: {  	[smem:$0x3FAF] =	sst s1  }
0xa: {  	[smem:$0x3FB0] =	sst s2  }
0xb: {  	[smem:$0x3FB1] =	sst s3  }
0xc: {  	[smem:$0x3FB2] =	sst s4  }
0xd: {  	[smem:$0x3FB3] =	sst s5  }
0xe: {  	[smem:$0x3FB4] =	sst s6  }
0xf: {  	[smem:$0x3FB5] =	sst s7  }
0x10: {  	[smem:$0x3FB6] =	sst s8  }
0x11: {  	[smem:$0x3FB7] =	sst s9;
	s0 =	simm.s32 @!p0 $0x0  }
0x12: {  	s1 =	sld [smem:$0x3F9D];
	s0 =	simm.s32 @p0 $0x1  }
0x13: {  	[smem:$0x3FB8] =	sst s0;
	s0 =	simm.s32 @!p1 $0x0  }
0x14: {  	s2 =	sld [smem:$0x3F9C];
	s0 =	simm.s32 @p1 $0x1  }
0x15: {  	[smem:$0x3FB9] =	sst s0;
	s0 =	simm.s32 @!p2 $0x0  }
0x16: {  	s3 =	sld [smem:$0x3FDB];
	s0 =	simm.s32 @p2 $0x1  }
0x17: {  	s4 =	simm.s32 $0x1BF5;
	[smem:$0x3FBB] =	sst s0  }
0x18: {  	s0 =	sld [smem:$0x3F9E];
	_ =	swait.ge [sflag:s4], $0x0  }
0x19: {  	s7 =	sld [smem:$0x3F9F]  }
0x1a: {  	s8 =	sadd.s32 $0xFFFFE003, lr  }
0x1b: {  	s9 =	sadd.s32 $0xFFFFFEF7, lr;
	s5 =	simm.s32 $0xFFFFFFFF;
	p2 =	slt.u32 s8, $0xFFFFF086  }
0x1c: {  	p1 =	slt.u32 s9, $0xF7A;
	s5 =	simm.s32 @!p2 $0x0  }
0x1d: {  	s5 =	simm.s32 @p1 $0x1;
	p0 =	seq.s32 s7, s2  }
0x1e: {  	s7 =	smul.u32 @!p0 $0xF7A, s2;
	p2 =	seq.s32 @!p0 s5, $0x0  }
0x1f: {  	s9 =	smul.u32 $0xF7A, s1;
	s8 =	simm.s32 @!p0 $0x1BF5;
	p2 =	por !p2, p0  }
0x20: {  	[sflag:s8] =	ssyncset.s32 @!p0 $0xFFFFF086;
	s6 =	sadd.s32 @!p0 s3, s7;
	s7 =	simm.s32 @!p0 $0x108  }
0x21: {  	s3 =	sadd.s32 s3, s9;
	s6 =	sadd.s32 @!p0 $0x88, s6;
	s7 =	simm.s32 @p2 $0x1082  }
0x22: {  	[simem:s7], [sflag:s8] =	dma.local @!p0 [hbm:s6], $0xF7A  }
0x23: {  	s9 =	sor.u32 $0xD0000000, s2;
	s6 =	simm.s32 $0x108;
	_ =	swait.ge @!p0 [sflag:s8], $0x0  }
0x24: {  	s3 =	sadd.s32 $0x88, s3;
	s6 =	simm.s32 @!p1 $0x1082;
	[sflag:s4] =	ssyncset.s32 $0xFFFFF086  }
0x25: {  	[simem:s6], [sflag:s4] =	dma.local [hbm:s3], $0xF7A  }
0x26: {  	[smem:$0x3F9F] =	sst s1;
	(tag) =	ssettag s2;
	_ =	strace s9  }
0x27: {  	s1 =	sld [smem:$0x3FAF]  }
0x28: {  	s2 =	sld [smem:$0x3FB0]  }
0x29: {  	s4 =	sld [smem:$0x3FB2]  }
0x2a: {  	p0 =	seq.s32 s5, $0x0;
	s5 =	sld [smem:$0x3FB3]  }
0x2b: {  	s6 =	sld [smem:$0x3FB4]  }
0x2c: {  	s7 =	sld [smem:$0x3FB5]  }
0x2d: {  	s3 =	simm.s32 $0x108;
	s8 =	sld [smem:$0x3FB6]  }
0x2e: {  	s3 =	simm.s32 @!p0 $0x1082;
	s9 =	sld [smem:$0x3FB7]  }
0x2f: {  	lr =	sadd.s32 s0, s3;
	s0 =	sld [smem:$0x3FAE]  }
0x30: {  	s3 =	sld [smem:$0x3FB1]  }
0x31: {  	[smem:$0x3FBA] =	sst s10  }
0x32: {  	s10 =	sld [smem:$0x3FB8];
	_ =	sdelay $0x3  }
0x33: {  	p0 =	seq.s32 s10, $0x1;
	s10 =	sld [smem:$0x3FBA];
	_ =	sdelay $0x3  }
0x34: {  	[smem:$0x3FBA] =	sst s10  }
0x35: {  	s10 =	sld [smem:$0x3FB9];
	_ =	sdelay $0x3  }
0x36: {  	p1 =	seq.s32 s10, $0x1;
	s10 =	sld [smem:$0x3FBA];
	_ =	sdelay $0x3  }
0x37: {  	[smem:$0x3FBA] =	sst s10  }
0x38: {  	s10 =	sld [smem:$0x3FBB]  }
0x39: {  	_ = 	snop;
	(pc) =	sbr.ind lr, $3  }
0x3a: {  	_ = 	snop  }
0x3b: {  	_ = 	snop  }
0x3c: {  	p2 =	seq.s32 s10, $0x1;
	s10 =	sld [smem:$0x3FBA]  }
0x3d: {  	_ =	shalt  }
0x3e: {  	_ =	shalt  }
0x3f: {  	_ =	shalt  }
0x40: {  	_ =	shalt  }
0x41: {  	_ =	shalt  }
0x42: {  	_ =	shalt  }
0x43: {  	_ =	shalt  }
0x44: {  	_ =	shalt  }
0x45: {  	_ =	shalt  }
0x46: {  	_ =	shalt  }
0x47: {  	_ =	shalt  }
0x48: {  	_ =	shalt  }
0x49: {  	_ =	shalt  }
0x4a: {  	_ =	shalt  }
0x4b: {  	_ =	shalt  }
0x4c: {  	_ =	shalt  }
0x4d: {  	_ =	shalt  }
0x4e: {  	_ =	shalt  }
0x4f: {  	_ =	shalt  }
0x50: {  	_ =	shalt  }
0x51: {  	_ =	shalt  }
0x52: {  	_ =	shalt  }
0x53: {  	_ =	shalt  }
0x54: {  	_ =	shalt  }
0x55: {  	_ =	shalt  }
0x56: {  	_ =	shalt  }
0x57: {  	_ =	shalt  }
0x58: {  	_ =	shalt  }
0x59: {  	_ =	shalt  }
0x5a: {  	_ =	shalt  }
0x5b: {  	_ =	shalt  }
0x5c: {  	_ =	shalt  }
0x5d: {  	_ =	shalt  }
0x5e: {  	_ =	shalt  }
0x5f: {  	_ =	shalt  }
0x60: {  	_ =	shalt  }
0x61: {  	_ =	shalt  }
0x62: {  	_ =	shalt  }
0x63: {  	_ =	shalt  }
0x64: {  	_ =	shalt  }
0x65: {  	_ =	shalt  }
0x66: {  	_ =	shalt  }
0x67: {  	_ =	shalt  }
0x68: {  	_ =	shalt  }
0x69: {  	_ =	shalt  }
0x6a: {  	_ =	shalt  }
0x6b: {  	_ =	shalt  }
0x6c: {  	_ =	shalt  }
0x6d: {  	_ =	shalt  }
0x6e: {  	_ =	shalt  }
0x6f: {  	_ =	shalt  }
0x70: {  	_ =	shalt  }
0x71: {  	_ =	shalt  }
0x72: {  	_ =	shalt  }
0x73: {  	_ =	shalt  }
0x74: {  	_ =	shalt  }
0x75: {  	_ =	shalt  }
0x76: {  	_ =	shalt  }
0x77: {  	_ =	shalt  }
0x78: {  	_ =	shalt  }
0x79: {  	_ =	shalt  }
0x7a: {  	_ =	shalt  }
0x7b: {  	_ =	shalt  }
0x7c: {  	_ =	shalt  }
0x7d: {  	_ =	shalt  }
0x7e: {  	_ =	shalt  }
0x7f: {  	_ =	shalt  }
0x80: {  	_ =	shalt  }
0x81: {  	_ =	shalt  }
0x82: {  	_ =	shalt  }
0x83: {  	_ =	shalt  }
0x84: {  	_ =	shalt  }
0x85: {  	_ =	shalt  }
0x86: {  	_ =	shalt  }
0x87: {  	_ =	shalt  }
.Lfunc_end0:
.L_simem_size_0:
called_computation_lowered:
.L_overlay_start_0:
0x88: {  	s2 =	sld [smem:$0x3FD9]  }
0x89: {  	s3 =	sld [smem:$0x3FFE];
	_ =	sdelay $0x1  }
0x8a: {  	s1 =	srdreg.scid  }
0x8b: {  	s0 =	sand.u32 $0x1, s1  }
0x8c: {  	s17 =	sshll.u32 s0, $0xA;
	s2 =	sadd.s32 s3, s2  }
0x8d: {  	s2 =	sadd.s32 s2, s17  }
0x8e: {  	[smem:$0x3FC6] =	sst s2  }
0x8f: {  	_ = 	snop  }
0x90: {  	s2 =	sld [smem:$0x3FD0];
	(tm) =	ssettm $0x1  }
0x91: {  	s18 =	sld [smem:$0x3FFB];
	_ =	sdelay $0x3  }
0x92: {  	_ =	strace s18  }
0x93: {  	s3 =	sld [smem:$0x3FFC];
	_ =	sdelay $0x3  }
0x94: {  	_ =	strace s3  }
0x95: {  	s3 =	sld [smem:$0x3FFD];
	_ =	sdelay $0x3  }
0x96: {  	_ =	strace s3  }
0x97: {  	_ =	strace $0x8FFFFFFF  }
0x98: {  	s19 =	sld [smem:$0x3FDB];
	_ =	sdelay $0x1  }
0x99: {  	s4 =	simm.s32 $_scs_section_size  }
0x9a: {  	s5 =	simm.s32 $_size__tile_overlayer_lowered;
	s6 =	simm.s32 $_tile_overlayer_lowered  }
0x9b: {  	s22 =	simm.s32 $0x1BFF;
	s21 =	sshll.u32 s6, $0x1;
	s3 =	sadd.s32 s4, s19  }
0x9c: {  	s7 =	simm.s32 $0x0;
	s20 =	sshll.u32 s5, $0x1;
	s5 =	sadd.s32 s21, s3  }
0x9d: {  	[timem:s7], [sflag:s22] =	dma.local [hbm:s5], s20  }
0x9e: {  	_ =	swait.ge [sflag:s22], s20  }
0x9f: {  	s4 =	ssub.s32 $0x0, s20;
	[sflag:s22] =	ssyncset.done $0x0  }
0xa0: {  	[sflag:s22] =	ssyncadd.s32 s4;
	_ =	sdelay $0x1  }
0xa1: {  	s23 =	simm.s32 $0x1B8B  }
0xa2: {  	_ =	swait.ge [sflag:s23], $0x1  }
0xa3: {  	[sflag:s23] =	ssyncset.done $0x0  }
0xa4: {  	s25 =	simm.s32 $0x1B8E;
	s24 =	sld [smem:$0x3FFE];
	[sflag:s23] =	ssyncadd.s32 $0xFFFFFFFF  }
0xa5: {  	s26 =	simm.s32 $execute0_lowered;
	[smem:$0x3FD2] =	sst s25  }
0xa6: {  	s5 =	sshll.u32 s26, $0x1;
	_ =	strace $0x80000046;
	[dreg:$0x1] =	wrdreg $0xFFFFFFFF  }
0xa7: {  	s28 =	simm.s32 $_size_execute0_lowered;
	s3 =	sadd.s32 s3, s5;
	[dreg:$0x0] =	wrdreg $0x0  }
0xa8: {  	s5 =	sshll.u32 s28, $0x1;
	[dreg:$0x2] =	wrdreg s3  }
0xa9: {  	[dreg:$0x3] =	wrdreg s5  }
0xaa: {  	[dreg:$0x4] =	wrdreg $0xC0  }
0xab: {  	_ =	task [dreg:s7], $0x5FFFF  }
0xac: {  	[dreg:$0x1] =	wrdreg $0xFFFFFFFF  }
0xad: {  	[dreg:$0x0] =	wrdreg $0x60  }
0xae: {  	[dreg:$0x2] =	wrdreg s24  }
0xaf: {  	[dreg:$0x3] =	wrdreg s2  }
0xb0: {  	[dreg:$0x4] =	wrdreg $0x9  }
0xb1: {  	_ =	task.clear_ibuf [dreg:s7], $0x5FFFF;
	_ =	strace $0x90000046  }
0xb2: {  	s29 =	simm.s32 $0x9;
	_ =	strace $0x80000048  }
0xb3: {  	_ =	swait.ge [sflag:s29], $0x1  }
0xb4: {  	[sflag:s29] =	ssyncadd.s32 $0xFFFFFFFF  }
0xb5: {  	_ =	strace $0x90000048  }
0xb6: {  	_ =	sfence  }
0xb7: {  	s30 =	sld [smem:$0x0];
	_ =	sdelay $0x2  }
0xb8: {  	s31 =	sshll.u32 s1, $0xD;
	s1 =	sshrl.u32 s1, $0x2  }
0xb9: {  	s3 =	sand.u32 $0x4000, s31;
	s1 =	sadd.s32 s1, s30  }
0xba: {  	s0 =	sor.u32 s3, s0;
	s1 =	sshll.u32 s1, $0x11  }
0xbb: {  	s0 =	sor.u32 s1, s0  }
0xbc: {  	s0 =	sadd.s32 $0x8F2B, s0  }
0xbd: {  	[sflag:s0] =	ssyncadd.remote.s32 $0x1  }
0xbe: {  	_ =	sfence.sel $0xFFFF  }
0xbf: {  	[dreg:$0x0] =	wrdreg $0xFFFFFFFF;
	(pc) =	sbr.abs _section_cstart, $3  }
0xc0: {  	[dreg:$0x1] =	wrdreg $0xFFFFFFFF  }
0xc1: {  	_ =	task.clear_ibuf [dreg:s7], $0x2FFFF;
	_ =	strace $0x9FFFFFFF  }
0xc2: {  	(tm) =	ssettm $0x7FFFFFFF  }
0xc3: {  	_ =	shalt  }
tec
execute0_lowered:
.L_overlay_start_1:
0x0: {  	(tag) =	ssettag $0x1  }
0x1: {  	s0 =	rddreg [dreg:$0x0];
	s1 =	srdreg.scid  }
0x2: {  	s3 =	stileid.u32;
	s2 =	rddreg [dreg:$0x1]  }
0x3: {  	s4 =	simm.s32 $0x0;
	s12 =	simm.s32 $0x80;
	s15 =	simm.s32 $0x100  }
0x4: {  	s28 =	simm.s32 $0x1;
	s29 =	simm.s32 $0xE400;
	s30 =	simm.s32 $0xC8000  }
0x5: {  	s31 =	simm.s32 $0x2;
	s13 =	simm.s32 $0x12400;
	s14 =	simm.s32 $0x4  }
0x6: {  	s16 =	simm.s32 $0x14400;
	s17 =	simm.s32 $0x5;
	s18 =	simm.s32 $0x6  }
0x7: {  	s19 =	simm.s32 $0x7;
	s20 =	simm.s32 $0x8;
	s21 =	simm.s32 $0x0  }
0x8: {  	v0 =	vlaneseq.u32;
	s1 =	sand.u32 $0x1, s1;
	s3 =	sshll.u32 s3, $0x1;
	[smem:$0x7FF] =	sst s4  }
0x9: {  	s4 =	sadd.s32 $0x19400, s0;
	s7 =	sadd.s32 $0x20, s2;
	v0 =	vmul.u32 $0x100, v0;
	s3 =	sor.u32 s1, s3  }
0xa: {  	s8 =	sadd.s32 $0x40, s2;
	s1 =	ssub.s32 $0x2, s1;
	s24 =	smul.u32 $0xC80, s3  }
.Ltmp0:
0xb: {  	s9 =	sadd.s32 $0x60, s2;
	s5 =	sshrl.u32 s1, $0x1;
	v1 =	vor.u32 $0x1000, v0;
	v2 =	vor.u32 $0x1, v0;
	v3 =	vor.u32 $0x1001, v0;
	(pc) =	sbr.rel .LBB2_1-.Ltmp0, $4  }
0xc: {  	_ =	strace $0x80000047;
	v4 =	vor.u32 $0x2, v0;
	v5 =	vor.u32 $0x1002, v0;
	v6 =	vor.u32 $0x3, v0;
	s25 =	ssub.s32 s1, s5;
	s1 =	simm.s32 $0x10400  }
0xd: {  	v7 =	vor.u32 $0x1003, v0;
	v8 =	vor.u32 $0x4, v0;
	v9 =	vor.u32 $0x1004, v0;
	s6 =	sadd.s32 s24, s0;
	s0 =	smax.u32 s25, $0x1;
	s24 =	simm.s32 $0xC400  }
0xe: {  	v10 =	vor.u32 $0x5, v0;
	v11 =	vor.u32 $0x1005, v0;
	v12 =	vor.u32 $0x6, v0;
	s26 =	sadd.s32 $0x400, s6;
	s6 =	sshll.u32 s3, $0x7;
	[dreg:$0x4] =	wrdreg s0  }
0xf: {  	v13 =	vor.u32 $0x1006, v0;
	v14 =	vor.u32 $0x7, v0;
	v15 =	vor.u32 $0x1007, v0;
	s0 =	simm.s32 $0x3;
	[dreg:$0x3] =	wrdreg s26;
	s26 =	simm.s32 $0xD400  }
.LBB2_12:
0x10: {  	_ =	swait.ge [sflag:s17], $0x2000  }
0x11: {  	[sflag:s17] =	ssyncset.done $0x0  }
0x12: {  	[sflag:s17] =	ssyncadd.s32 $0xFFFFE000  }
0x13: {  	_ =	swait.ge [sflag:s18], $0x2000  }
0x14: {  	[sflag:s18] =	ssyncset.done $0x0  }
0x15: {  	[sflag:s18] =	ssyncadd.s32 $0xFFFFE000  }
0x16: {  	_ =	swait.ge [sflag:s19], $0x2000  }
0x17: {  	[sflag:s19] =	ssyncset.done $0x0  }
0x18: {  	[sflag:s19] =	ssyncadd.s32 $0xFFFFE000  }
0x19: {  	_ =	swait.ge [sflag:s20], $0x2000  }
0x1a: {  	s21 =	sadd.s32 $0x1, s21;
	s3 =	rddreg [dreg:$0x4]  }
0x1b: {  	p0 =	sne.s32 s21, s3  }
.Ltmp1:
0x1c: {  	_ = 	snop;
	(pc) =	sbr.rel @!p0 .LBB2_13-.Ltmp1, $3  }
0x1d: {  	_ =	sdelay $0x1  }
0x1e: {  	[sflag:s20] =	ssyncset.done $0x0  }
0x1f: {  	[sflag:s20] =	ssyncadd.s32 $0xFFFFE000  }
.LBB2_1:
0x20: {  	s3 =	simm.s32 $0x0;
	s5 =	rddreg [dreg:$0x3];
	s25 =	simm.s32 $0x9  }
0x21: {  	[tilespmem:s3], [sflag:$0x9] =	stream.linear.gather [hbm4b:s5+s3], $0x6400, $0x38;
	[tilespmem:$0x16400] =	vst v63  }
0x22: {  	_ =	swait.ge [sflag:s25], $0x6400  }
0x23: {  	[sflag:s25] =	ssyncset.done $0x0  }
0x24: {  	s10 =	simm.s32 $0x6400;
	[sflag:s25] =	ssyncadd.s32 $0xFFFF9C00  }
0x25: {  	[tilespmem:s10], [sflag:$0x1] =	stream.indirect.gather [hbm4b:s4+s12], $0x20, s3, s12, $0xb8;
	[tilespmem:$0x16400] =	vst v63  }
0x26: {  	s11 =	simm.s32 $0x7400  }
0x27: {  	[tilespmem:s11], [sflag:$0x1] =	stream.indirect.gather [hbm4b:s4+s12], $0x20, s12, s12, $0xb8;
	[tilespmem:$0x16400] =	vst v63  }
0x28: {  	s22 =	simm.s32 $0x8400  }
0x29: {  	[tilespmem:s22], [sflag:$0x2] =	stream.indirect.gather [hbm4b:s4+s12], $0x20, s15, s12, $0xb8;
	[tilespmem:$0x16400] =	vst v63  }
0x2a: {  	s23 =	simm.s32 $0x180;
	s25 =	simm.s32 $0x9400  }
0x2b: {  	[tilespmem:s25], [sflag:$0x2] =	stream.indirect.gather [hbm4b:s4+s12], $0x20, s23, s12, $0xb8;
	[tilespmem:$0x16400] =	vst v63  }
0x2c: {  	s5 =	simm.s32 $0x200;
	s10 =	simm.s32 $0xA400  }
0x2d: {  	[tilespmem:s10], [sflag:$0x3] =	stream.indirect.gather [hbm4b:s4+s12], $0x20, s5, s12, $0xb8;
	[tilespmem:$0x16400] =	vst v63  }
0x2e: {  	s11 =	simm.s32 $0x280;
	s22 =	simm.s32 $0xB400  }
0x2f: {  	[tilespmem:s22], [sflag:$0x3] =	stream.indirect.gather [hbm4b:s4+s12], $0x20, s11, s12, $0xb8;
	[tilespmem:$0x16400] =	vst v63  }
0x30: {  	s23 =	simm.s32 $0x300  }
0x31: {  	[tilespmem:s24], [sflag:$0x4] =	stream.indirect.gather [hbm4b:s4+s12], $0x20, s23, s12, $0xb8;
	[tilespmem:$0x16400] =	vst v63  }
0x32: {  	s25 =	simm.s32 $0x380;
	s22 =	simm.s32 $0x0  }
0x33: {  	[tilespmem:s26], [sflag:$0x4] =	stream.indirect.gather [hbm4b:s4+s12], $0x20, s25, s12, $0xb8;
	[tilespmem:$0x16400] =	vst v63  }
.LBB2_2:
0x34: {  	_ =	swait.ge [sflag:s28], $0x1000  }
0x35: {  	[sflag:s28] =	ssyncset.done $0x0  }
0x36: {  	[sflag:s28] =	ssyncadd.s32 $0xFFFFF000  }
0x37: {  	_ =	swait.ge [sflag:s28], $0x1000  }
0x38: {  	p0 =	seq.s32 s22, $0x0;
	[sflag:s28] =	ssyncset.done $0x0  }
0x39: {  	s3 =	simm.s32 @!p0 $0x5;
	[sflag:s28] =	ssyncadd.s32 $0xFFFFF000  }
0x3a: {  	_ =	swait.ge @!p0 [sflag:s3], $0x2000  }
0x3b: {  	[sflag:s3] =	ssyncset.done @!p0 $0x0  }
0x3c: {  	[sflag:s3] =	ssyncadd.s32 @!p0 $0xFFFFE000;
	s3 =	simm.s32 $0x6480  }
0x3d: {  	v18 =	vimm.s32 $0x0;
	v16 =	vld [tilespmem:s3+$0x40]  }
0x3e: {  	v17 =	vadd.s32 v12, v18;
	v19 =	vld [tilespmem:s3+$0xFFFFFFC0]  }
0x3f: {  	v22 =	vadd.s32 v14, v18;
	v20 =	vld [tilespmem:s3+$0x60]  }
0x40: {  	v23 =	vadd.s32 v6, v18;
	v24 =	vld [tilespmem:s3+$0xFFFFFFE0]  }
0x41: {  	v25 =	vadd.s32 v4, v18;
	v27 =	vld [tilespmem:s3+$0xFFFFFF80]  }
0x42: {  	v26 =	vadd.s32 v8, v18;
	v28 =	vld [tilespmem:s3+$0x0]  }
0x43: {  	v30 =	vadd.s32 v0, v18;
	v21 =	vld [tilespmem:s3+$0x20];
	[tilespmem:v17+s29+$0x0] =	vst.idx.msk $0xffff, v16  }
0x44: {  	v29 =	vadd.s32 v2, v18;
	v17 =	vld [tilespmem:s3+$0xFFFFFFA0];
	[tilespmem:v22+s29+$0x0] =	vst.idx.msk $0xffff, v20  }
0x45: {  	v32 =	vadd.s32 v15, v18;
	[tilespmem:v23+s29+$0x0] =	vst.idx.msk $0xffff, v24;
	v31 =	vld [tilespmem:s3+$0x70]  }
0x46: {  	[tilespmem:v25+s29+$0x0] =	vst.idx.msk $0xffff, v19;
	v16 =	vadd.s32 v10, v18;
	v20 =	vld [tilespmem:s3+$0xFFFFFFF0]  }
0x47: {  	v25 =	vadd.s32 v5, v18;
	[tilespmem:v26+s29+$0x0] =	vst.idx.msk $0xffff, v28;
	v23 =	vld [tilespmem:s3+$0xFFFFFFD0]  }
0x48: {  	v26 =	vadd.s32 v7, v18;
	[tilespmem:v30+s29+$0x0] =	vst.idx.msk $0xffff, v27;
	v28 =	vadd.s32 v9, v18;
	v24 =	vld [tilespmem:s3+$0x10]  }
0x49: {  	v22 =	vadd.s32 v11, v18;
	v27 =	vadd.s32 v1, v18;
	[tilespmem:v29+s29+$0x0] =	vst.idx.msk $0xffff, v17;
	v29 =	vld [tilespmem:s3+$0x50]  }
0x4a: {  	s23 =	sshll.u32 s22, $0xC;
	s5 =	simm.s32 $0x0;
	s10 =	simm.s32 $0x6580;
	v30 =	vadd.s32 v13, v18;
	v17 =	vadd.s32 v3, v18;
	v18 =	vadd.s32 $0x8, v18;
	v19 =	vld [tilespmem:s3+$0xFFFFFFB0];
	[tilespmem:v32+s29+$0x0] =	vst.idx.msk $0xffff, v31  }
.LBB2_3:
0x4b: {  	v31 =	vadd.s32 v0, v18;
	v32 =	vadd.s32 v4, v18;
	s5 =	sadd.s32 $0x8, s5;
	v33 =	vld [tilespmem:s3+$0xFFFFFF90];
	[tilespmem:v16+s29+$0x0] =	vst.idx.msk $0xffff, v21  }
0x4c: {  	v34 =	vadd.s32 v6, v18;
	v21 =	vadd.s32 v12, v18;
	p1 =	slt.u32 s5, $0xF8;
	[tilespmem:v25+s29+$0x0] =	vst.idx.msk $0xffff, v23;
	v23 =	vld [tilespmem:s3+$0x30];
	s3 =	smov.u32 s10  }
0x4d: {  	v35 =	vadd.s32 v8, v18;
	v16 =	vadd.s32 v10, v18;
	v25 =	vld [tilespmem:s10+$0x40];
	[tilespmem:v26+s29+$0x0] =	vst.idx.msk $0xffff, v20  }
0x4e: {  	v20 =	vld [tilespmem:s10+$0xFFFFFFC0];
	[tilespmem:v28+s29+$0x0] =	vst.idx.msk $0xffff, v24  }
0x4f: {  	v26 =	vadd.s32 v14, v18;
	v24 =	vld [tilespmem:s10+$0x60];
	[tilespmem:v30+s29+$0x0] =	vst.idx.msk $0xffff, v29  }
0x50: {  	v28 =	vld [tilespmem:s10+$0xFFFFFFE0];
	[tilespmem:v27+s29+$0x0] =	vst.idx.msk $0xffff, v33  }
0x51: {  	v27 =	vld [tilespmem:s10+$0xFFFFFF80];
	[tilespmem:v22+s29+$0x0] =	vst.idx.msk $0xffff, v23  }
0x52: {  	v22 =	vld [tilespmem:s10+$0x0];
	[tilespmem:v21+s29+$0x0] =	vst.idx.msk $0xffff, v25  }
0x53: {  	v30 =	vadd.s32 v2, v18;
	v29 =	vld [tilespmem:s10+$0xFFFFFFA0];
	[tilespmem:v17+s29+$0x0] =	vst.idx.msk $0xffff, v19  }
0x54: {  	v21 =	vld [tilespmem:s10+$0x20];
	[tilespmem:v26+s29+$0x0] =	vst.idx.msk $0xffff, v24  }
0x55: {  	[tilespmem:v34+s29+$0x0] =	vst.idx.msk $0xffff, v28;
	v33 =	vld [tilespmem:s10+$0x70];
	v34 =	vadd.s32 v15, v18  }
.Ltmp2:
0x56: {  	[tilespmem:v32+s29+$0x0] =	vst.idx.msk $0xffff, v20;
	v20 =	vld [tilespmem:s10+$0xFFFFFFF0];
	(pc) =	sbr.rel @p1 .LBB2_3-.Ltmp2, $4  }
0x57: {  	v25 =	vadd.s32 v5, v18;
	v23 =	vld [tilespmem:s10+$0xFFFFFFD0];
	[tilespmem:v35+s29+$0x0] =	vst.idx.msk $0xffff, v22  }
0x58: {  	v17 =	vadd.s32 v3, v18;
	v26 =	vadd.s32 v7, v18;
	[tilespmem:v30+s29+$0x0] =	vst.idx.msk $0xffff, v29;
	v24 =	vld [tilespmem:s10+$0x10]  }
0x59: {  	v28 =	vadd.s32 v9, v18;
	v22 =	vadd.s32 v11, v18;
	[tilespmem:v31+s29+$0x0] =	vst.idx.msk $0xffff, v27;
	v19 =	vld [tilespmem:s10+$0xFFFFFFB0]  }
0x5a: {  	v30 =	vadd.s32 v13, v18;
	v27 =	vadd.s32 v1, v18;
	v18 =	vadd.s32 $0x8, v18;
	s10 =	sadd.s32 $0x100, s10;
	v29 =	vld [tilespmem:s3+$0x50];
	[tilespmem:v34+s29+$0x0] =	vst.idx.msk $0xffff, v33  }
0x5b: {  	_ =	sdelay $0x3  }
0x5c: {  	[tilespmem:v16+s29+$0x0] =	vst.idx.msk $0xffff, v21  }
0x5d: {  	v18 =	vld [tilespmem:s3+$0xFFFFFF90];
	[tilespmem:v26+s29+$0x0] =	vst.idx.msk $0xffff, v20  }
0x5e: {  	[tilespmem:v25+s29+$0x0] =	vst.idx.msk $0xffff, v23;
	v16 =	vld [tilespmem:s3+$0x30]  }
0x5f: {  	[tilespmem:v28+s29+$0x0] =	vst.idx.msk $0xffff, v24  }
0x60: {  	[tilespmem:v17+s29+$0x0] =	vst.idx.msk $0xffff, v19  }
0x61: {  	[tilespmem:v30+s29+$0x0] =	vst.idx.msk $0xffff, v29  }
0x62: {  	s25 =	sor.u32 s6, s23;
	p1 =	seq.s32 s22, $0x18;
	[tilespmem:v27+s29+$0x0] =	vst.idx.msk $0xffff, v18  }
0x63: {  	s11 =	sadd.s32 s2, s25;
	s3 =	sshrl.u32 @!p1 s23, $0x2;
	[tilespmem:v22+s29+$0x0] =	vst.idx.msk $0xffff, v16  }
0x64: {  	[hbm4b:s11+s15] =	stream.strided.scatter [tilespmem:s29], [sflag:$0x5], $0x2000, s30, s15, $0x38;
	[tilespmem:$0x16400] =	vst v63  }
0x65: {  	s10 =	simm.s32 @!p1 $0x80;
	s5 =	sadd.s32 @!p1 $0x400, s3;
	s11 =	simm.s32 @!p1 $0x6400  }
0x66: {  	[tilespmem:s11], [sflag:$0x1] =	stream.indirect.gather @!p1 [hbm4b:s4+s10], $0x20, s5, s10, $0xb8;
	[tilespmem:$0x16400] =	vst v63  }
0x67: {  	s5 =	sadd.s32 @!p1 $0x480, s3;
	s11 =	simm.s32 @!p1 $0x7400  }
0x68: {  	[tilespmem:s11], [sflag:$0x1] =	stream.indirect.gather @!p1 [hbm4b:s4+s10], $0x20, s5, s10, $0xb8;
	[tilespmem:$0x16400] =	vst v63  }
0x69: {  	_ =	swait.ge [sflag:s31], $0x1000  }
0x6a: {  	[sflag:s31] =	ssyncset.done $0x0  }
0x6b: {  	[sflag:s31] =	ssyncadd.s32 $0xFFFFF000  }
0x6c: {  	_ =	swait.ge [sflag:s31], $0x1000  }
0x6d: {  	[sflag:s31] =	ssyncset.done $0x0  }
0x6e: {  	s5 =	simm.s32 @!p0 $0x6;
	[sflag:s31] =	ssyncadd.s32 $0xFFFFF000  }
0x6f: {  	_ =	swait.ge @!p0 [sflag:s5], $0x2000  }
0x70: {  	[sflag:s5] =	ssyncset.done @!p0 $0x0  }
0x71: {  	[sflag:s5] =	ssyncadd.s32 @!p0 $0xFFFFE000;
	s5 =	simm.s32 $0x8480  }
0x72: {  	v18 =	vimm.s32 $0x0;
	v16 =	vld [tilespmem:s5+$0x40]  }
0x73: {  	v17 =	vadd.s32 v12, v18;
	v19 =	vld [tilespmem:s5+$0xFFFFFFC0]  }
0x74: {  	v22 =	vadd.s32 v14, v18;
	v20 =	vld [tilespmem:s5+$0x60]  }
0x75: {  	v23 =	vadd.s32 v6, v18;
	v24 =	vld [tilespmem:s5+$0xFFFFFFE0]  }
0x76: {  	v25 =	vadd.s32 v4, v18;
	v27 =	vld [tilespmem:s5+$0xFFFFFF80]  }
0x77: {  	v26 =	vadd.s32 v8, v18;
	v28 =	vld [tilespmem:s5+$0x0]  }
0x78: {  	v30 =	vadd.s32 v0, v18;
	v21 =	vld [tilespmem:s5+$0x20];
	[tilespmem:v17+s1+$0x0] =	vst.idx.msk $0xffff, v16  }
0x79: {  	v29 =	vadd.s32 v2, v18;
	v17 =	vld [tilespmem:s5+$0xFFFFFFA0];
	[tilespmem:v22+s1+$0x0] =	vst.idx.msk $0xffff, v20  }
0x7a: {  	v32 =	vadd.s32 v15, v18;
	[tilespmem:v23+s1+$0x0] =	vst.idx.msk $0xffff, v24;
	v31 =	vld [tilespmem:s5+$0x70]  }
0x7b: {  	[tilespmem:v25+s1+$0x0] =	vst.idx.msk $0xffff, v19;
	v16 =	vadd.s32 v10, v18;
	v20 =	vld [tilespmem:s5+$0xFFFFFFF0]  }
0x7c: {  	v25 =	vadd.s32 v5, v18;
	[tilespmem:v26+s1+$0x0] =	vst.idx.msk $0xffff, v28;
	v23 =	vld [tilespmem:s5+$0xFFFFFFD0]  }
0x7d: {  	v26 =	vadd.s32 v7, v18;
	[tilespmem:v30+s1+$0x0] =	vst.idx.msk $0xffff, v27;
	v28 =	vadd.s32 v9, v18;
	v24 =	vld [tilespmem:s5+$0x10]  }
0x7e: {  	v22 =	vadd.s32 v11, v18;
	v27 =	vadd.s32 v1, v18;
	[tilespmem:v29+s1+$0x0] =	vst.idx.msk $0xffff, v17;
	v29 =	vld [tilespmem:s5+$0x50]  }
0x7f: {  	s10 =	simm.s32 $0x0;
	s11 =	simm.s32 $0x8580;
	v30 =	vadd.s32 v13, v18;
	v17 =	vadd.s32 v3, v18;
	v18 =	vadd.s32 $0x8, v18;
	v19 =	vld [tilespmem:s5+$0xFFFFFFB0];
	[tilespmem:v32+s1+$0x0] =	vst.idx.msk $0xffff, v31  }
.LBB2_5:
0x80: {  	v31 =	vadd.s32 v0, v18;
	v32 =	vadd.s32 v4, v18;
	s10 =	sadd.s32 $0x8, s10;
	v33 =	vld [tilespmem:s5+$0xFFFFFF90];
	[tilespmem:v16+s1+$0x0] =	vst.idx.msk $0xffff, v21  }
0x81: {  	v34 =	vadd.s32 v6, v18;
	v21 =	vadd.s32 v12, v18;
	p2 =	slt.u32 s10, $0xF8;
	[tilespmem:v25+s1+$0x0] =	vst.idx.msk $0xffff, v23;
	v23 =	vld [tilespmem:s5+$0x30];
	s5 =	smov.u32 s11  }
0x82: {  	v35 =	vadd.s32 v8, v18;
	v16 =	vadd.s32 v10, v18;
	v25 =	vld [tilespmem:s11+$0x40];
	[tilespmem:v26+s1+$0x0] =	vst.idx.msk $0xffff, v20  }
0x83: {  	v20 =	vld [tilespmem:s11+$0xFFFFFFC0];
	[tilespmem:v28+s1+$0x0] =	vst.idx.msk $0xffff, v24  }
0x84: {  	v26 =	vadd.s32 v14, v18;
	v24 =	vld [tilespmem:s11+$0x60];
	[tilespmem:v30+s1+$0x0] =	vst.idx.msk $0xffff, v29  }
0x85: {  	v28 =	vld [tilespmem:s11+$0xFFFFFFE0];
	[tilespmem:v27+s1+$0x0] =	vst.idx.msk $0xffff, v33  }
0x86: {  	v27 =	vld [tilespmem:s11+$0xFFFFFF80];
	[tilespmem:v22+s1+$0x0] =	vst.idx.msk $0xffff, v23  }
0x87: {  	v22 =	vld [tilespmem:s11+$0x0];
	[tilespmem:v21+s1+$0x0] =	vst.idx.msk $0xffff, v25  }
0x88: {  	v30 =	vadd.s32 v2, v18;
	v29 =	vld [tilespmem:s11+$0xFFFFFFA0];
	[tilespmem:v17+s1+$0x0] =	vst.idx.msk $0xffff, v19  }
0x89: {  	v21 =	vld [tilespmem:s11+$0x20];
	[tilespmem:v26+s1+$0x0] =	vst.idx.msk $0xffff, v24  }
0x8a: {  	[tilespmem:v34+s1+$0x0] =	vst.idx.msk $0xffff, v28;
	v33 =	vld [tilespmem:s11+$0x70];
	v34 =	vadd.s32 v15, v18  }
.Ltmp3:
0x8b: {  	[tilespmem:v32+s1+$0x0] =	vst.idx.msk $0xffff, v20;
	v20 =	vld [tilespmem:s11+$0xFFFFFFF0];
	(pc) =	sbr.rel @p2 .LBB2_5-.Ltmp3, $4  }
0x8c: {  	v25 =	vadd.s32 v5, v18;
	v23 =	vld [tilespmem:s11+$0xFFFFFFD0];
	[tilespmem:v35+s1+$0x0] =	vst.idx.msk $0xffff, v22  }
0x8d: {  	v17 =	vadd.s32 v3, v18;
	v26 =	vadd.s32 v7, v18;
	[tilespmem:v30+s1+$0x0] =	vst.idx.msk $0xffff, v29;
	v24 =	vld [tilespmem:s11+$0x10]  }
0x8e: {  	v28 =	vadd.s32 v9, v18;
	v22 =	vadd.s32 v11, v18;
	[tilespmem:v31+s1+$0x0] =	vst.idx.msk $0xffff, v27;
	v19 =	vld [tilespmem:s11+$0xFFFFFFB0]  }
0x8f: {  	v30 =	vadd.s32 v13, v18;
	v27 =	vadd.s32 v1, v18;
	v18 =	vadd.s32 $0x8, v18;
	s11 =	sadd.s32 $0x100, s11;
	v29 =	vld [tilespmem:s5+$0x50];
	[tilespmem:v34+s1+$0x0] =	vst.idx.msk $0xffff, v33  }
0x90: {  	_ =	sdelay $0x3  }
0x91: {  	[tilespmem:v16+s1+$0x0] =	vst.idx.msk $0xffff, v21  }
0x92: {  	v18 =	vld [tilespmem:s5+$0xFFFFFF90];
	[tilespmem:v26+s1+$0x0] =	vst.idx.msk $0xffff, v20  }
0x93: {  	[tilespmem:v25+s1+$0x0] =	vst.idx.msk $0xffff, v23;
	v16 =	vld [tilespmem:s5+$0x30]  }
0x94: {  	[tilespmem:v28+s1+$0x0] =	vst.idx.msk $0xffff, v24  }
0x95: {  	[tilespmem:v17+s1+$0x0] =	vst.idx.msk $0xffff, v19  }
0x96: {  	[tilespmem:v30+s1+$0x0] =	vst.idx.msk $0xffff, v29  }
0x97: {  	[tilespmem:v27+s1+$0x0] =	vst.idx.msk $0xffff, v18  }
0x98: {  	s11 =	sadd.s32 s25, s7;
	[tilespmem:v22+s1+$0x0] =	vst.idx.msk $0xffff, v16  }
0x99: {  	[hbm4b:s11+s15] =	stream.strided.scatter [tilespmem:s1], [sflag:$0x6], $0x2000, s30, s15, $0x38;
	[tilespmem:$0x16400] =	vst v63  }
0x9a: {  	s10 =	simm.s32 @!p1 $0x80;
	s5 =	sadd.s32 @!p1 $0x500, s3;
	s11 =	simm.s32 @!p1 $0x8400  }
0x9b: {  	[tilespmem:s11], [sflag:$0x2] =	stream.indirect.gather @!p1 [hbm4b:s4+s10], $0x20, s5, s10, $0xb8;
	[tilespmem:$0x16400] =	vst v63  }
0x9c: {  	s5 =	sadd.s32 @!p1 $0x580, s3;
	s11 =	simm.s32 @!p1 $0x9400  }
0x9d: {  	[tilespmem:s11], [sflag:$0x2] =	stream.indirect.gather @!p1 [hbm4b:s4+s10], $0x20, s5, s10, $0xb8;
	[tilespmem:$0x16400] =	vst v63  }
0x9e: {  	_ =	swait.ge [sflag:s0], $0x1000  }
0x9f: {  	[sflag:s0] =	ssyncset.done $0x0  }
0xa0: {  	[sflag:s0] =	ssyncadd.s32 $0xFFFFF000  }
0xa1: {  	_ =	swait.ge [sflag:s0], $0x1000  }
0xa2: {  	[sflag:s0] =	ssyncset.done $0x0  }
0xa3: {  	s5 =	simm.s32 @!p0 $0x7;
	[sflag:s0] =	ssyncadd.s32 $0xFFFFF000  }
0xa4: {  	_ =	swait.ge @!p0 [sflag:s5], $0x2000  }
0xa5: {  	[sflag:s5] =	ssyncset.done @!p0 $0x0  }
0xa6: {  	[sflag:s5] =	ssyncadd.s32 @!p0 $0xFFFFE000;
	s5 =	simm.s32 $0xA480  }
0xa7: {  	v18 =	vimm.s32 $0x0;
	v16 =	vld [tilespmem:s5+$0x40]  }
0xa8: {  	v17 =	vadd.s32 v12, v18;
	v19 =	vld [tilespmem:s5+$0xFFFFFFC0]  }
0xa9: {  	v22 =	vadd.s32 v14, v18;
	v20 =	vld [tilespmem:s5+$0x60]  }
0xaa: {  	v23 =	vadd.s32 v6, v18;
	v24 =	vld [tilespmem:s5+$0xFFFFFFE0]  }
0xab: {  	v25 =	vadd.s32 v4, v18;
	v27 =	vld [tilespmem:s5+$0xFFFFFF80]  }
0xac: {  	v26 =	vadd.s32 v8, v18;
	v28 =	vld [tilespmem:s5+$0x0]  }
0xad: {  	v30 =	vadd.s32 v0, v18;
	v21 =	vld [tilespmem:s5+$0x20];
	[tilespmem:v17+s13+$0x0] =	vst.idx.msk $0xffff, v16  }
0xae: {  	v29 =	vadd.s32 v2, v18;
	v17 =	vld [tilespmem:s5+$0xFFFFFFA0];
	[tilespmem:v22+s13+$0x0] =	vst.idx.msk $0xffff, v20  }
0xaf: {  	v32 =	vadd.s32 v15, v18;
	[tilespmem:v23+s13+$0x0] =	vst.idx.msk $0xffff, v24;
	v31 =	vld [tilespmem:s5+$0x70]  }
0xb0: {  	[tilespmem:v25+s13+$0x0] =	vst.idx.msk $0xffff, v19;
	v16 =	vadd.s32 v10, v18;
	v20 =	vld [tilespmem:s5+$0xFFFFFFF0]  }
0xb1: {  	v25 =	vadd.s32 v5, v18;
	[tilespmem:v26+s13+$0x0] =	vst.idx.msk $0xffff, v28;
	v23 =	vld [tilespmem:s5+$0xFFFFFFD0]  }
0xb2: {  	v26 =	vadd.s32 v7, v18;
	[tilespmem:v30+s13+$0x0] =	vst.idx.msk $0xffff, v27;
	v28 =	vadd.s32 v9, v18;
	v24 =	vld [tilespmem:s5+$0x10]  }
0xb3: {  	v22 =	vadd.s32 v11, v18;
	v27 =	vadd.s32 v1, v18;
	[tilespmem:v29+s13+$0x0] =	vst.idx.msk $0xffff, v17;
	v29 =	vld [tilespmem:s5+$0x50]  }
0xb4: {  	s10 =	simm.s32 $0x0;
	s11 =	simm.s32 $0xA580;
	v30 =	vadd.s32 v13, v18;
	v17 =	vadd.s32 v3, v18;
	v18 =	vadd.s32 $0x8, v18;
	v19 =	vld [tilespmem:s5+$0xFFFFFFB0];
	[tilespmem:v32+s13+$0x0] =	vst.idx.msk $0xffff, v31  }
.LBB2_7:
0xb5: {  	v31 =	vadd.s32 v0, v18;
	v32 =	vadd.s32 v4, v18;
	s10 =	sadd.s32 $0x8, s10;
	v33 =	vld [tilespmem:s5+$0xFFFFFF90];
	[tilespmem:v16+s13+$0x0] =	vst.idx.msk $0xffff, v21  }
0xb6: {  	v34 =	vadd.s32 v6, v18;
	v21 =	vadd.s32 v12, v18;
	p2 =	slt.u32 s10, $0xF8;
	[tilespmem:v25+s13+$0x0] =	vst.idx.msk $0xffff, v23;
	v23 =	vld [tilespmem:s5+$0x30];
	s5 =	smov.u32 s11  }
0xb7: {  	v35 =	vadd.s32 v8, v18;
	v16 =	vadd.s32 v10, v18;
	v25 =	vld [tilespmem:s11+$0x40];
	[tilespmem:v26+s13+$0x0] =	vst.idx.msk $0xffff, v20  }
0xb8: {  	v20 =	vld [tilespmem:s11+$0xFFFFFFC0];
	[tilespmem:v28+s13+$0x0] =	vst.idx.msk $0xffff, v24  }
0xb9: {  	v26 =	vadd.s32 v14, v18;
	v24 =	vld [tilespmem:s11+$0x60];
	[tilespmem:v30+s13+$0x0] =	vst.idx.msk $0xffff, v29  }
0xba: {  	v28 =	vld [tilespmem:s11+$0xFFFFFFE0];
	[tilespmem:v27+s13+$0x0] =	vst.idx.msk $0xffff, v33  }
0xbb: {  	v27 =	vld [tilespmem:s11+$0xFFFFFF80];
	[tilespmem:v22+s13+$0x0] =	vst.idx.msk $0xffff, v23  }
0xbc: {  	v22 =	vld [tilespmem:s11+$0x0];
	[tilespmem:v21+s13+$0x0] =	vst.idx.msk $0xffff, v25  }
0xbd: {  	v30 =	vadd.s32 v2, v18;
	v29 =	vld [tilespmem:s11+$0xFFFFFFA0];
	[tilespmem:v17+s13+$0x0] =	vst.idx.msk $0xffff, v19  }
0xbe: {  	v21 =	vld [tilespmem:s11+$0x20];
	[tilespmem:v26+s13+$0x0] =	vst.idx.msk $0xffff, v24  }
0xbf: {  	[tilespmem:v34+s13+$0x0] =	vst.idx.msk $0xffff, v28;
	v33 =	vld [tilespmem:s11+$0x70];
	v34 =	vadd.s32 v15, v18  }
.Ltmp4:
0xc0: {  	[tilespmem:v32+s13+$0x0] =	vst.idx.msk $0xffff, v20;
	v20 =	vld [tilespmem:s11+$0xFFFFFFF0];
	(pc) =	sbr.rel @p2 .LBB2_7-.Ltmp4, $4  }
0xc1: {  	v25 =	vadd.s32 v5, v18;
	v23 =	vld [tilespmem:s11+$0xFFFFFFD0];
	[tilespmem:v35+s13+$0x0] =	vst.idx.msk $0xffff, v22  }
0xc2: {  	v17 =	vadd.s32 v3, v18;
	v26 =	vadd.s32 v7, v18;
	[tilespmem:v30+s13+$0x0] =	vst.idx.msk $0xffff, v29;
	v24 =	vld [tilespmem:s11+$0x10]  }
0xc3: {  	v28 =	vadd.s32 v9, v18;
	v22 =	vadd.s32 v11, v18;
	[tilespmem:v31+s13+$0x0] =	vst.idx.msk $0xffff, v27;
	v19 =	vld [tilespmem:s11+$0xFFFFFFB0]  }
0xc4: {  	v30 =	vadd.s32 v13, v18;
	v27 =	vadd.s32 v1, v18;
	v18 =	vadd.s32 $0x8, v18;
	s11 =	sadd.s32 $0x100, s11;
	v29 =	vld [tilespmem:s5+$0x50];
	[tilespmem:v34+s13+$0x0] =	vst.idx.msk $0xffff, v33  }
0xc5: {  	_ =	sdelay $0x3  }
0xc6: {  	[tilespmem:v16+s13+$0x0] =	vst.idx.msk $0xffff, v21  }
0xc7: {  	v18 =	vld [tilespmem:s5+$0xFFFFFF90];
	[tilespmem:v26+s13+$0x0] =	vst.idx.msk $0xffff, v20  }
0xc8: {  	[tilespmem:v25+s13+$0x0] =	vst.idx.msk $0xffff, v23;
	v16 =	vld [tilespmem:s5+$0x30]  }
0xc9: {  	[tilespmem:v28+s13+$0x0] =	vst.idx.msk $0xffff, v24  }
0xca: {  	[tilespmem:v17+s13+$0x0] =	vst.idx.msk $0xffff, v19  }
0xcb: {  	[tilespmem:v30+s13+$0x0] =	vst.idx.msk $0xffff, v29  }
0xcc: {  	[tilespmem:v27+s13+$0x0] =	vst.idx.msk $0xffff, v18  }
0xcd: {  	s11 =	sadd.s32 s25, s8;
	[tilespmem:v22+s13+$0x0] =	vst.idx.msk $0xffff, v16  }
0xce: {  	[hbm4b:s11+s15] =	stream.strided.scatter [tilespmem:s13], [sflag:$0x7], $0x2000, s30, s15, $0x38;
	[tilespmem:$0x16400] =	vst v63  }
0xcf: {  	s10 =	simm.s32 @!p1 $0x80;
	s5 =	sadd.s32 @!p1 $0x600, s3;
	s11 =	simm.s32 @!p1 $0xA400  }
0xd0: {  	[tilespmem:s11], [sflag:$0x3] =	stream.indirect.gather @!p1 [hbm4b:s4+s10], $0x20, s5, s10, $0xb8;
	[tilespmem:$0x16400] =	vst v63  }
0xd1: {  	s3 =	sadd.s32 @!p1 $0x680, s3;
	s5 =	simm.s32 @!p1 $0xB400  }
0xd2: {  	[tilespmem:s5], [sflag:$0x3] =	stream.indirect.gather @!p1 [hbm4b:s4+s10], $0x20, s3, s10, $0xb8;
	[tilespmem:$0x16400] =	vst v63  }
0xd3: {  	_ =	swait.ge [sflag:s14], $0x1000  }
0xd4: {  	[sflag:s14] =	ssyncset.done $0x0  }
0xd5: {  	[sflag:s14] =	ssyncadd.s32 $0xFFFFF000  }
0xd6: {  	_ =	swait.ge [sflag:s14], $0x1000  }
0xd7: {  	[sflag:s14] =	ssyncset.done $0x0  }
0xd8: {  	s3 =	simm.s32 @!p0 $0x8;
	[sflag:s14] =	ssyncadd.s32 $0xFFFFF000  }
0xd9: {  	_ =	swait.ge @!p0 [sflag:s3], $0x2000  }
0xda: {  	[sflag:s3] =	ssyncset.done @!p0 $0x0  }
0xdb: {  	[sflag:s3] =	ssyncadd.s32 @!p0 $0xFFFFE000;
	s3 =	simm.s32 $0xC480  }
0xdc: {  	v18 =	vimm.s32 $0x0;
	v16 =	vld [tilespmem:s3+$0x40]  }
0xdd: {  	v17 =	vadd.s32 v12, v18;
	v19 =	vld [tilespmem:s3+$0xFFFFFFC0]  }
0xde: {  	v22 =	vadd.s32 v14, v18;
	v20 =	vld [tilespmem:s3+$0x60]  }
0xdf: {  	v23 =	vadd.s32 v6, v18;
	v24 =	vld [tilespmem:s3+$0xFFFFFFE0]  }
0xe0: {  	v25 =	vadd.s32 v4, v18;
	v27 =	vld [tilespmem:s3+$0xFFFFFF80]  }
0xe1: {  	v26 =	vadd.s32 v8, v18;
	v28 =	vld [tilespmem:s3+$0x0]  }
0xe2: {  	v30 =	vadd.s32 v0, v18;
	v21 =	vld [tilespmem:s3+$0x20];
	[tilespmem:v17+s16+$0x0] =	vst.idx.msk $0xffff, v16  }
0xe3: {  	v29 =	vadd.s32 v2, v18;
	v17 =	vld [tilespmem:s3+$0xFFFFFFA0];
	[tilespmem:v22+s16+$0x0] =	vst.idx.msk $0xffff, v20  }
0xe4: {  	v32 =	vadd.s32 v15, v18;
	[tilespmem:v23+s16+$0x0] =	vst.idx.msk $0xffff, v24;
	v31 =	vld [tilespmem:s3+$0x70]  }
0xe5: {  	[tilespmem:v25+s16+$0x0] =	vst.idx.msk $0xffff, v19;
	v16 =	vadd.s32 v10, v18;
	v20 =	vld [tilespmem:s3+$0xFFFFFFF0]  }
0xe6: {  	v25 =	vadd.s32 v5, v18;
	[tilespmem:v26+s16+$0x0] =	vst.idx.msk $0xffff, v28;
	v23 =	vld [tilespmem:s3+$0xFFFFFFD0]  }
0xe7: {  	v26 =	vadd.s32 v7, v18;
	[tilespmem:v30+s16+$0x0] =	vst.idx.msk $0xffff, v27;
	v28 =	vadd.s32 v9, v18;
	v24 =	vld [tilespmem:s3+$0x10]  }
0xe8: {  	v22 =	vadd.s32 v11, v18;
	v27 =	vadd.s32 v1, v18;
	[tilespmem:v29+s16+$0x0] =	vst.idx.msk $0xffff, v17;
	v29 =	vld [tilespmem:s3+$0x50]  }
0xe9: {  	s5 =	simm.s32 $0x0;
	s10 =	simm.s32 $0xC580;
	v30 =	vadd.s32 v13, v18;
	v17 =	vadd.s32 v3, v18;
	v18 =	vadd.s32 $0x8, v18;
	v19 =	vld [tilespmem:s3+$0xFFFFFFB0];
	[tilespmem:v32+s16+$0x0] =	vst.idx.msk $0xffff, v31  }
.LBB2_9:
0xea: {  	v31 =	vadd.s32 v0, v18;
	v32 =	vadd.s32 v4, v18;
	s5 =	sadd.s32 $0x8, s5;
	v33 =	vld [tilespmem:s3+$0xFFFFFF90];
	[tilespmem:v16+s16+$0x0] =	vst.idx.msk $0xffff, v21  }
0xeb: {  	v34 =	vadd.s32 v6, v18;
	v21 =	vadd.s32 v12, v18;
	p0 =	slt.u32 s5, $0xF8;
	[tilespmem:v25+s16+$0x0] =	vst.idx.msk $0xffff, v23;
	v23 =	vld [tilespmem:s3+$0x30];
	s3 =	smov.u32 s10  }
0xec: {  	v35 =	vadd.s32 v8, v18;
	v16 =	vadd.s32 v10, v18;
	v25 =	vld [tilespmem:s10+$0x40];
	[tilespmem:v26+s16+$0x0] =	vst.idx.msk $0xffff, v20  }
0xed: {  	v20 =	vld [tilespmem:s10+$0xFFFFFFC0];
	[tilespmem:v28+s16+$0x0] =	vst.idx.msk $0xffff, v24  }
0xee: {  	v26 =	vadd.s32 v14, v18;
	v24 =	vld [tilespmem:s10+$0x60];
	[tilespmem:v30+s16+$0x0] =	vst.idx.msk $0xffff, v29  }
0xef: {  	v28 =	vld [tilespmem:s10+$0xFFFFFFE0];
	[tilespmem:v27+s16+$0x0] =	vst.idx.msk $0xffff, v33  }
0xf0: {  	v27 =	vld [tilespmem:s10+$0xFFFFFF80];
	[tilespmem:v22+s16+$0x0] =	vst.idx.msk $0xffff, v23  }
0xf1: {  	v22 =	vld [tilespmem:s10+$0x0];
	[tilespmem:v21+s16+$0x0] =	vst.idx.msk $0xffff, v25  }
0xf2: {  	v30 =	vadd.s32 v2, v18;
	v29 =	vld [tilespmem:s10+$0xFFFFFFA0];
	[tilespmem:v17+s16+$0x0] =	vst.idx.msk $0xffff, v19  }
0xf3: {  	v21 =	vld [tilespmem:s10+$0x20];
	[tilespmem:v26+s16+$0x0] =	vst.idx.msk $0xffff, v24  }
0xf4: {  	[tilespmem:v34+s16+$0x0] =	vst.idx.msk $0xffff, v28;
	v33 =	vld [tilespmem:s10+$0x70];
	v34 =	vadd.s32 v15, v18  }
.Ltmp5:
0xf5: {  	[tilespmem:v32+s16+$0x0] =	vst.idx.msk $0xffff, v20;
	v20 =	vld [tilespmem:s10+$0xFFFFFFF0];
	(pc) =	sbr.rel @p0 .LBB2_9-.Ltmp5, $4  }
0xf6: {  	v25 =	vadd.s32 v5, v18;
	v23 =	vld [tilespmem:s10+$0xFFFFFFD0];
	[tilespmem:v35+s16+$0x0] =	vst.idx.msk $0xffff, v22  }
0xf7: {  	v17 =	vadd.s32 v3, v18;
	v26 =	vadd.s32 v7, v18;
	[tilespmem:v30+s16+$0x0] =	vst.idx.msk $0xffff, v29;
	v24 =	vld [tilespmem:s10+$0x10]  }
0xf8: {  	v28 =	vadd.s32 v9, v18;
	v22 =	vadd.s32 v11, v18;
	[tilespmem:v31+s16+$0x0] =	vst.idx.msk $0xffff, v27;
	v19 =	vld [tilespmem:s10+$0xFFFFFFB0]  }
0xf9: {  	v30 =	vadd.s32 v13, v18;
	v27 =	vadd.s32 v1, v18;
	v18 =	vadd.s32 $0x8, v18;
	s10 =	sadd.s32 $0x100, s10;
	v29 =	vld [tilespmem:s3+$0x50];
	[tilespmem:v34+s16+$0x0] =	vst.idx.msk $0xffff, v33  }
0xfa: {  	_ =	sdelay $0x3  }
0xfb: {  	[tilespmem:v16+s16+$0x0] =	vst.idx.msk $0xffff, v21  }
0xfc: {  	v18 =	vld [tilespmem:s3+$0xFFFFFF90];
	[tilespmem:v26+s16+$0x0] =	vst.idx.msk $0xffff, v20  }
0xfd: {  	[tilespmem:v25+s16+$0x0] =	vst.idx.msk $0xffff, v23;
	v16 =	vld [tilespmem:s3+$0x30]  }
0xfe: {  	[tilespmem:v28+s16+$0x0] =	vst.idx.msk $0xffff, v24  }
.Ltmp6:
0xff: {  	[tilespmem:v17+s16+$0x0] =	vst.idx.msk $0xffff, v19;
	(pc) =	sbr.rel @p1 .LBB2_12-.Ltmp6, $4  }
0x100: {  	[tilespmem:v30+s16+$0x0] =	vst.idx.msk $0xffff, v29  }
0x101: {  	[tilespmem:v27+s16+$0x0] =	vst.idx.msk $0xffff, v18  }
0x102: {  	s25 =	sadd.s32 s25, s9;
	[tilespmem:v22+s16+$0x0] =	vst.idx.msk $0xffff, v16  }
0x103: {  	[hbm4b:s25+s15] =	stream.strided.scatter [tilespmem:s16], [sflag:$0x8], $0x2000, s30, s15, $0x38;
	[tilespmem:$0x16400] =	vst v63  }
.Ltmp7:
0x104: {  	s3 =	sshrl.u32 s23, $0x2;
	(pc) =	sbr.rel .LBB2_2-.Ltmp7, $4  }
0x105: {  	s5 =	sadd.s32 $0x700, s3  }
0x106: {  	[tilespmem:s24], [sflag:$0x4] =	stream.indirect.gather [hbm4b:s4+s12], $0x20, s5, s12, $0xb8;
	[tilespmem:$0x16400] =	vst v63  }
0x107: {  	s22 =	sadd.s32 $0x1, s22;
	s3 =	sadd.s32 $0x780, s3  }
0x108: {  	[tilespmem:s26], [sflag:$0x4] =	stream.indirect.gather [hbm4b:s4+s12], $0x20, s3, s12, $0xb8;
	[tilespmem:$0x16400] =	vst v63  }
.LBB2_13:
0x109: {  	_ =	sfence.sel $0x180000  }
0x10a: {  	[bflag:$0x0] =	sbarrier.arrive $0xFFFF  }
0x10b: {  	_ =	strace $0x90000047  }
0x10c: {  	s0 =	stileid.u32;
	[bflag:$0x2] =	sbarrier.arrive $0xFFFF  }
0x10d: {  	p0 =	sne.s32 s0, $0x0;
	s0 =	rddreg [dreg:$0x2]  }
0x10e: {  	s0 =	sadd.s32 @!p0 $0x100000, s0  }
0x10f: {  	[sflag:s0] =	ssyncadd.tile.s32 @!p0 $0x1;
	_ =	shalt  }
.Lfunc_end2:
_tile_overlayer_lowered:
.L_overlay_start_2:
0x110: {  	(tag) =	ssettag $0x2  }
0x111: {  	s0 =	rddreg [dreg:$0x0];
	s2 =	stileid.u32  }
0x112: {  	s1 =	rddreg [dreg:$0x1];
	p0 =	sne.s32 s2, $0x0  }
0x113: {  	s3 =	rddreg [dreg:$0x2];
	[bflag:$0x3] =	sbarrier.arrive $0xFFFF;
	s2 =	simm.s32 @!p0 $0x1C09  }
0x114: {  	[timem:s3], [sflag:s2] =	dma.local @!p0 [hbm:s0], s1  }
0x115: {  	s0 =	simm.s32 @!p0 $0x9  }
0x116: {  	_ =	swait.ge @!p0 [sflag:s0], s1  }
0x117: {  	s1 =	ssub.s32 @!p0 $0x0, s1;
	[sflag:s0] =	ssyncset.done @!p0 $0x0  }
0x118: {  	[sflag:s0] =	ssyncadd.s32 @!p0 s1  }
0x119: {  	[bflag:$0x3] =	sbarrier.arrive $0xFFFF  }
0x11a: {  	_ =	shalt  }

</sc_bundles>
